<compile_context>
chip_gen: v7x
topology: tpu7x:2x2x1
jax: 0.10.2.dev20260603
libtpu: 0.0.44.dev20260713+nightly
codegen_flags: <defaults>
</compile_context>

<pallas_src>
import functools

import jax
import jax.numpy as jnp
from jax import lax
from jax.experimental import pallas as pl
from jax.experimental.pallas import tpu as pltpu
from jax.experimental.pallas import tpu_sc as plsc

NC = 2
NS = 16
NW = NC * NS


def _round_up(a, m):
    return -(-a // m) * m


def _plan_edges(e, max_chunk=128):
    for chunk in range(max_chunk, 0, -8):
        if e % (NW * chunk) == 0:
            return chunk, e // (NW * chunk), 0
    chunk = max_chunk
    nch = -(-e // (NW * chunk))
    return chunk, nch, NW * chunk * nch - e


def _sc_degree(dst3, nrows):
    nw, nch, chunk = dst3.shape
    rpt = nrows // NS

    @functools.partial(
        pl.kernel,
        out_type=jax.ShapeDtypeStruct((NC, nrows), jnp.float32),
        mesh=plsc.VectorSubcoreMesh(core_axis_name="c", subcore_axis_name="s"),
        scratch_types=[
            pltpu.VMEM((nch, chunk), jnp.int32),
            pltpu.VMEM((chunk,), jnp.float32),
            pltpu.VMEM((rpt,), jnp.float32),
            pltpu.VMEM_SHARED((nrows,), jnp.float32),
            pltpu.SemaphoreType.DMA,
        ],
    )
    def deg_kernel(dst_hbm, degp_hbm, idx_v, ones_v, zb_v, deg_sh, sem):
        c = lax.axis_index("c")
        s = lax.axis_index("s")
        w = c * NS + s
        idx_cp = pltpu.make_async_copy(dst_hbm.at[w], idx_v, sem)
        idx_cp.start()

        @pl.loop(0, chunk // 16)
        def _ones(i):
            ones_v[pl.ds(i * 16, 16)] = jnp.ones((16,), jnp.float32)

        @pl.loop(0, rpt // 16)
        def _zb(i):
            zb_v[pl.ds(i * 16, 16)] = jnp.zeros((16,), jnp.float32)

        pltpu.sync_copy(zb_v, deg_sh.at[pl.ds(s * rpt, rpt)])
        idx_cp.wait()
        plsc.subcore_barrier()

        grp = 5 if nch % 5 == 0 else 1

        @pl.loop(0, nch // grp)
        def _scat(gi):
            for u in range(grp):
                dsc = pltpu.make_async_copy(
                    ones_v, deg_sh.at[idx_v.at[gi * grp + u]], sem)
                dsc.start(add=True)
            for u in range(grp):
                pltpu.make_async_copy(
                    ones_v, deg_sh.at[idx_v.at[gi * grp + u]], sem).wait()

        plsc.subcore_barrier()
        pltpu.sync_copy(deg_sh.at[pl.ds(s * rpt, rpt)],
                        degp_hbm.at[c, pl.ds(s * rpt, rpt)])

    return deg_kernel(dst3)


def _sc_scatter(g, src2, dst3, nrows):
    nw, nch, chunk = dst3.shape
    d = g.shape[1]
    adt = g.dtype
    rpt = nrows // NS
    nfull = rpt // chunk
    rem = rpt % chunk
    lanes = 32 if adt == jnp.bfloat16 else 16

    @functools.partial(
        pl.kernel,
        out_type=jax.ShapeDtypeStruct((NC, nrows, d), adt),
        mesh=plsc.VectorSubcoreMesh(core_axis_name="c", subcore_axis_name="s"),
        scratch_types=[
            pltpu.VMEM((nch * chunk,), jnp.int32),
            pltpu.VMEM((nch, chunk), jnp.int32),
            pltpu.VMEM((chunk, d), adt),
            pltpu.VMEM((chunk, d), adt),
            pltpu.VMEM_SHARED((nrows, d), adt),
            pltpu.SemaphoreType.DMA,
            pltpu.SemaphoreType.DMA,
        ],
    )
    def scat_kernel(g_hbm, src_hbm, dst_hbm, acc_hbm,
                    src_v, dst_v, buf_a, buf_b, acc_sh, sem_a, sem_b):
        c = lax.axis_index("c")
        s = lax.axis_index("s")
        w = c * NS + s
        idx_cp_s = pltpu.make_async_copy(src_hbm.at[w], src_v, sem_a)
        idx_cp_d = pltpu.make_async_copy(dst_hbm.at[w], dst_v, sem_b)
        idx_cp_s.start()
        idx_cp_d.start()

        base = s * rpt

        @pl.when(c == 0)
        def _seed():
            pltpu.sync_copy(g_hbm.at[pl.ds(base, rpt)],
                            acc_sh.at[pl.ds(base, rpt)])

        @pl.when(c != 0)
        def _zfill():
            @pl.loop(0, chunk)
            def _zr(r):
                @pl.loop(0, d // lanes)
                def _zc(i):
                    buf_a[r, pl.ds(i * lanes, lanes)] = jnp.zeros((lanes,), adt)

            @pl.loop(0, nfull)
            def _za(k):
                pltpu.sync_copy(buf_a, acc_sh.at[pl.ds(base + k * chunk, chunk)])

            if rem:
                pltpu.sync_copy(buf_a.at[pl.ds(0, rem)],
                                acc_sh.at[pl.ds(base + nfull * chunk, rem)])

        def _gather(j, buf, sem):
            return pltpu.make_async_copy(
                g_hbm.at[src_v.at[pl.ds(j * chunk, chunk)]], buf, sem)

        def _scatter(j, buf):
            pltpu.sync_copy(buf, acc_sh.at[dst_v.at[j]], add=True)

        idx_cp_s.wait()
        idx_cp_d.wait()
        _gather(0, buf_a, sem_a).start()
        plsc.subcore_barrier()

        @pl.loop(0, nch // 2)
        def _pair(k):
            j = 2 * k

            @pl.when(j + 1 < nch)
            def _():
                _gather(j + 1, buf_b, sem_b).start()

            _gather(j, buf_a, sem_a).wait()
            _scatter(j, buf_a)

            @pl.when(j + 2 < nch)
            def _():
                _gather(j + 2, buf_a, sem_a).start()

            @pl.when(j + 1 < nch)
            def _():
                _gather(j + 1, buf_b, sem_b).wait()
                _scatter(j + 1, buf_b)

        if nch % 2:
            _gather(nch - 1, buf_a, sem_a).wait()
            _scatter(nch - 1, buf_a)

        plsc.subcore_barrier()

        pltpu.sync_copy(acc_sh.at[pl.ds(base, rpt)],
                        acc_hbm.at[c, pl.ds(base, rpt)])

    return scat_kernel(g, src2, dst3)


def _mm_body(x_ref, w_ref, degp_ref, g_ref):
    deg = jnp.sum(degp_ref[...], axis=0) + 1.0
    dinv = lax.rsqrt(deg)
    h = jnp.dot(x_ref[...], w_ref[...], preferred_element_type=jnp.float32)
    g_ref[...] = h * dinv[:, None]


def _tc_matmul(x, W, degp, nr):
    n, d_in = x.shape
    d = W.shape[1]
    br = 512
    return pl.pallas_call(
        _mm_body,
        grid=(pl.cdiv(nr, br),),
        in_specs=[
            pl.BlockSpec((br, d_in), lambda i: (i, 0)),
            pl.BlockSpec((d_in, d), lambda i: (0, 0)),
            pl.BlockSpec((NC, br), lambda i: (0, i)),
        ],
        out_specs=pl.BlockSpec((br, d), lambda i: (i, 0)),
        out_shape=jax.ShapeDtypeStruct((nr, d), jnp.float32),
    )(x, W, degp)


def _tcb_body(accp_ref, degp_ref, b_ref, o_ref):
    deg = jnp.sum(degp_ref[...], axis=0) + 1.0
    dinv = lax.rsqrt(deg)
    acc = accp_ref[0].astype(jnp.float32) + accp_ref[1].astype(jnp.float32)
    z = acc * dinv[:, None] + b_ref[...]
    m = jnp.max(z, axis=1, keepdims=True)
    ez = jnp.exp(z - m)
    o_ref[...] = z - m - jnp.log(jnp.sum(ez, axis=1, keepdims=True))


def _tc_finalize(accp, degp, b, n):
    d = accp.shape[2]
    br = 512
    return pl.pallas_call(
        _tcb_body,
        grid=(pl.cdiv(n, br),),
        in_specs=[
            pl.BlockSpec((NC, br, d), lambda i: (0, i, 0)),
            pl.BlockSpec((NC, br), lambda i: (0, i)),
            pl.BlockSpec((1, d), lambda i: (0, 0)),
        ],
        out_specs=pl.BlockSpec((br, d), lambda i: (i, 0)),
        out_shape=jax.ShapeDtypeStruct((n, d), jnp.float32),
    )(accp, degp, b.reshape(1, d))


def kernel(x, edge_index, W, b):
    n, d_in = x.shape
    d = W.shape[1]
    e = edge_index.shape[1]
    src = edge_index[0]
    dst = edge_index[1]

    chunk_d, nch_d, pad_d = _plan_edges(e)
    nrows_d = _round_up(n, 256)
    dst_d = dst
    if pad_d:
        ar = jnp.arange(pad_d, dtype=jnp.int32)
        dst_d = jnp.concatenate([dst, n + (ar % 64)])
        nrows_d = _round_up(n + 64, 256)

    chunk_s = 96
    nch_s = -(-e // (NW * chunk_s))
    pad_s = NW * chunk_s * nch_s - e
    n_junk = 16
    nrows_s = _round_up(n + n_junk, 128)
    src_s, dst_s = src, dst
    if pad_s:
        ar = jnp.arange(pad_s, dtype=jnp.int32)
        src_s = jnp.concatenate([src, ar % n])
        dst_s = jnp.concatenate([dst, n + (ar % n_junk)])

    degp = _sc_degree(dst_d.reshape(NW, nch_d, chunk_d), nrows_d)
    g = _tc_matmul(x, W, degp, nrows_s)
    accp = _sc_scatter(g, src_s.reshape(NW, nch_s * chunk_s),
                       dst_s.reshape(NW, nch_s, chunk_s), nrows_s)
    out = _tc_finalize(accp, degp, b, n)
    return out

# --- scband reference (transcript-rebuilt; emitter-appended) ---
"""Pipeline reference for scband-cls-4604204942081 (READ-ONLY COPY).

The authoritative reference and input builder live on the scoring server;
editing this copy changes nothing except your own understanding.
"""

import jax, jax.numpy as jnp
import numpy as np

N = 10000
E = 320000
D_IN = 128
D_OUT = 128


def setup_inputs(seed: int = 0) -> dict:
    key = jax.random.key(seed)
    k1, k2, k3 = jax.random.split(key, 3)
    x = jax.random.normal(k1, (N, D_IN), dtype=jnp.float32)
    edge_index = jax.random.randint(k2, (2, E), 0, N, dtype=jnp.int32)
    # GCNConv linear weight (glorot-ish) and bias
    W = jax.random.normal(k3, (D_IN, D_OUT), dtype=jnp.float32) * (1.0 / np.sqrt(D_IN))
    b = jnp.zeros((D_OUT,), dtype=jnp.float32)
    return {"x": x, "edge_index": edge_index, "W": W, "b": b}


def reference(x, edge_index, W, b):
    n = x.shape[0]
    src = edge_index[0]
    dst = edge_index[1]
    # add self loops (PyG GCNConv default)
    loop = jnp.arange(n, dtype=src.dtype)
    src = jnp.concatenate([src, loop])
    dst = jnp.concatenate([dst, loop])
    # symmetric normalization: deg computed on destination (col)
    ones = jnp.ones_like(dst, dtype=x.dtype)
    deg = jnp.zeros((n,), dtype=x.dtype).at[dst].add(ones)
    deg_inv_sqrt = jnp.where(deg > 0, 1.0 / jnp.sqrt(deg), 0.0)
    norm = deg_inv_sqrt[src] * deg_inv_sqrt[dst]
    # linear transform then normalized scatter-add aggregation
    h = x @ W
    msg = h[src] * norm[:, None]
    out = jnp.zeros((n, h.shape[1]), dtype=x.dtype).at[dst].add(msg)
    out = out + b
    return jax.nn.log_softmax(out, axis=1)

if __name__ == "__main__":
    import jax
    _d = setup_inputs()
    print(jax.jit(kernel)(*tuple(_d.values())))

</pallas_src>

<mosaic_0001>
#map = affine_map<(d0, d1) -> (0, 0, 0)>
#map1 = affine_map<(d0, d1) -> (0, 0)>
module attributes {stable_mosaic.version = 14 : i64} {
  func.func @deg_kernel(%arg0: i32, %arg1: i32, %arg2: memref<32x125x80xi32, #tpu.memory_space<hbm>>, %arg3: memref<2x10240xf32, #tpu.memory_space<hbm>>, %arg4: memref<125x80xi32, #tpu.memory_space<vmem>>, %arg5: memref<80xf32, #tpu.memory_space<vmem>>, %arg6: memref<640xf32, #tpu.memory_space<vmem>>, %arg7: memref<10240xf32, #tpu.memory_space<vmem_shared>>, %arg8: memref<!tpu.dma_semaphore, #tpu.memory_space<semaphore_mem>>) attributes {dimension_semantics = [#tpu.dimension_semantics<core_parallel>, #tpu.dimension_semantics<subcore_parallel>], iteration_bounds = array<i64: 2, 16>, scalar_prefetch = 0 : i64, scratch_operands = 5 : i64, tpu.core_type = #tpu.core_type<sc_vector_subcore>, window_params = [{transform_indices = #map}, {transform_indices = #map1}]} {
    %mul3A = arith.constant 16 : i32
    %mul3A_0 = arith.muli %arg0, %mul3A : i32
    %add3A = arith.addi %mul3A_0, %arg1 : i32
    %dma_start3A = arith.constant 0 : i32
    %dma_start3A_1 = arith.constant 0 : i32
    %dma_start3A_2 = tpu.memref_slice %arg2[%add3A, %dma_start3A, %dma_start3A_1] : memref<32x125x80xi32, #tpu.memory_space<hbm>> -> memref<1x125x80xi32, #tpu.memory_space<hbm>>
    %dma_start3A_3 = tpu.memref_squeeze %dma_start3A_2 : memref<1x125x80xi32, #tpu.memory_space<hbm>> -> memref<125x80xi32, #tpu.memory_space<hbm>>
    %dma_start3A_4 = arith.constant 0 : i32
    %dma_start3A_5 = arith.constant 0 : i32
    %dma_start3A_6 = tpu.memref_slice %arg2[%add3A, %dma_start3A_4, %dma_start3A_5] : memref<32x125x80xi32, #tpu.memory_space<hbm>> -> memref<1x125x80xi32, #tpu.memory_space<hbm>>
    %dma_start3A_7 = tpu.memref_squeeze %dma_start3A_6 : memref<1x125x80xi32, #tpu.memory_space<hbm>> -> memref<125x80xi32, #tpu.memory_space<hbm>>
    tpu.enqueue_dma source(%dma_start3A_7 : memref<125x80xi32, #tpu.memory_space<hbm>>) target(%arg4 : memref<125x80xi32, #tpu.memory_space<vmem>>) target_semaphore(%arg8 : memref<!tpu.dma_semaphore, #tpu.memory_space<semaphore_mem>>)
    %scan3A = arith.constant 0 : i32
    %scan3A_8 = arith.constant 5 : i32
    %scan3A_9 = arith.addi %scan3A, %scan3A_8 : i32
    %scan3A_10 = arith.constant 1 : i32
    scf.for %scan3A_36 = %scan3A to %scan3A_9 step %scan3A_10  : i32 {
      %mul3A_37 = arith.constant 1 : i32
      %mul3A_38 = arith.muli %scan3A_36, %mul3A_37 : i32
      %add3A_39 = arith.constant 0 : i32
      %add3A_40 = arith.addi %add3A_39, %mul3A_38 : i32
      %broadcast_in_dim3A = arith.constant 1.000000e+00 : f32
      %broadcast_in_dim3A_41 = vector.broadcast %broadcast_in_dim3A : f32 to vector<16xf32>
      %mul3A_42 = arith.constant 16 : i32
      %mul3A_43 = arith.muli %add3A_40, %mul3A_42 : i32
      %swap3A = arith.index_cast %mul3A_43 : i32 to index
      %swap3A_44 = tpu.vector_load %arg5[%swap3A] {strides = array<i32>} : memref<80xf32, #tpu.memory_space<vmem>>, vector<16xf32>,
      %swap3A_45 = vector.shape_cast %swap3A_44 : vector<16xf32> to vector<16xf32>
      %swap3A_46 = vector.shape_cast %broadcast_in_dim3A_41 : vector<16xf32> to vector<16xf32>
      tpu.vector_store %arg5[%swap3A], %swap3A_46 {strides = array<i32>} : memref<80xf32, #tpu.memory_space<vmem>>, vector<16xf32>,
    }
    %scan3A_11 = arith.constant 5 : i32
    %scan3A_12 = arith.constant 0 : i32
    %scan3A_13 = arith.constant 40 : i32
    %scan3A_14 = arith.addi %scan3A_12, %scan3A_13 : i32
    %scan3A_15 = arith.constant 1 : i32
    scf.for %scan3A_36 = %scan3A_12 to %scan3A_14 step %scan3A_15  : i32 {
      %mul3A_37 = arith.constant 1 : i32
      %mul3A_38 = arith.muli %scan3A_36, %mul3A_37 : i32
      %add3A_39 = arith.constant 0 : i32
      %add3A_40 = arith.addi %add3A_39, %mul3A_38 : i32
      %broadcast_in_dim3A = arith.constant 0.000000e+00 : f32
      %broadcast_in_dim3A_41 = vector.broadcast %broadcast_in_dim3A : f32 to vector<16xf32>
      %mul3A_42 = arith.constant 16 : i32
      %mul3A_43 = arith.muli %add3A_40, %mul3A_42 : i32
      %swap3A = arith.index_cast %mul3A_43 : i32 to index
      %swap3A_44 = tpu.vector_load %arg6[%swap3A] {strides = array<i32>} : memref<640xf32, #tpu.memory_space<vmem>>, vector<16xf32>,
      %swap3A_45 = vector.shape_cast %swap3A_44 : vector<16xf32> to vector<16xf32>
      %swap3A_46 = vector.shape_cast %broadcast_in_dim3A_41 : vector<16xf32> to vector<16xf32>
      tpu.vector_store %arg6[%swap3A], %swap3A_46 {strides = array<i32>} : memref<640xf32, #tpu.memory_space<vmem>>, vector<16xf32>,
    }
    %scan3A_16 = arith.constant 40 : i32
    %mul3A_17 = arith.constant 640 : i32
    %mul3A_18 = arith.muli %arg1, %mul3A_17 : i32
    "tpu.region"() ({
      %run_scoped3A = tpu.sem_alloc : memref<!tpu.dma_semaphore, #tpu.memory_space<semaphore_mem>>
      %dma_start3A_36 = tpu.memref_slice %arg7[%mul3A_18] : memref<10240xf32, #tpu.memory_space<vmem_shared>> -> memref<640xf32, #tpu.memory_space<vmem_shared>>
      %dma_start3A_37 = tpu.memref_slice %arg7[%mul3A_18] : memref<10240xf32, #tpu.memory_space<vmem_shared>> -> memref<640xf32, #tpu.memory_space<vmem_shared>>
      tpu.enqueue_dma source(%arg6 : memref<640xf32, #tpu.memory_space<vmem>>) target(%dma_start3A_37 : memref<640xf32, #tpu.memory_space<vmem_shared>>) target_semaphore(%run_scoped3A : memref<!tpu.dma_semaphore, #tpu.memory_space<semaphore_mem>>)
      %dma_wait3A_38 = tpu.memref_slice %arg7[%mul3A_18] : memref<10240xf32, #tpu.memory_space<vmem_shared>> -> memref<640xf32, #tpu.memory_space<vmem_shared>>
      %dma_wait3A_39 = tpu.memref_slice %arg7[%mul3A_18] : memref<10240xf32, #tpu.memory_space<vmem_shared>> -> memref<640xf32, #tpu.memory_space<vmem_shared>>
      tpu.wait_dma2 semaphore(%run_scoped3A : memref<!tpu.dma_semaphore, #tpu.memory_space<semaphore_mem>>) src(%arg6 : memref<640xf32, #tpu.memory_space<vmem>>) dst(%dma_wait3A_39 : memref<640xf32, #tpu.memory_space<vmem_shared>>)
      tpu.yield
    }) : () -> ()
    %dma_wait3A = arith.constant 0 : i32
    %dma_wait3A_19 = arith.constant 0 : i32
    %dma_wait3A_20 = tpu.memref_slice %arg2[%add3A, %dma_wait3A, %dma_wait3A_19] : memref<32x125x80xi32, #tpu.memory_space<hbm>> -> memref<1x125x80xi32, #tpu.memory_space<hbm>>
    %dma_wait3A_21 = tpu.memref_squeeze %dma_wait3A_20 : memref<1x125x80xi32, #tpu.memory_space<hbm>> -> memref<125x80xi32, #tpu.memory_space<hbm>>
    %dma_wait3A_22 = arith.constant 0 : i32
    %dma_wait3A_23 = arith.constant 0 : i32
    %dma_wait3A_24 = tpu.memref_slice %arg2[%add3A, %dma_wait3A_22, %dma_wait3A_23] : memref<32x125x80xi32, #tpu.memory_space<hbm>> -> memref<1x125x80xi32, #tpu.memory_space<hbm>>
    %dma_wait3A_25 = tpu.memref_squeeze %dma_wait3A_24 : memref<1x125x80xi32, #tpu.memory_space<hbm>> -> memref<125x80xi32, #tpu.memory_space<hbm>>
    tpu.wait_dma2 semaphore(%arg8 : memref<!tpu.dma_semaphore, #tpu.memory_space<semaphore_mem>>) src(%dma_wait3A_25 : memref<125x80xi32, #tpu.memory_space<hbm>>) dst(%arg4 : memref<125x80xi32, #tpu.memory_space<vmem>>)
    %barrier3A = arith.constant 0 : index
    tpu.barrier barrier_id(%barrier3A)
    %scan3A_26 = arith.constant 0 : i32
    %scan3A_27 = arith.constant 25 : i32
    %scan3A_28 = arith.addi %scan3A_26, %scan3A_27 : i32
    %scan3A_29 = arith.constant 1 : i32
    scf.for %scan3A_36 = %scan3A_26 to %scan3A_28 step %scan3A_29  : i32 {
      %mul3A_37 = arith.constant 1 : i32
      %mul3A_38 = arith.muli %scan3A_36, %mul3A_37 : i32
      %add3A_39 = arith.constant 0 : i32
      %add3A_40 = arith.addi %add3A_39, %mul3A_38 : i32
      %mul3A_41 = arith.constant 5 : i32
      %mul3A_42 = arith.muli %add3A_40, %mul3A_41 : i32
      %add3A_43 = arith.constant 0 : i32
      %add3A_44 = arith.addi %mul3A_42, %add3A_43 : i32
      %dma_start3A_45 = arith.constant 0 : i32
      %dma_start3A_46 = tpu.memref_slice %arg4[%add3A_44, %dma_start3A_45] : memref<125x80xi32, #tpu.memory_space<vmem>> -> memref<1x80xi32, #tpu.memory_space<vmem>>
      %dma_start3A_47 = tpu.memref_squeeze %dma_start3A_46 : memref<1x80xi32, #tpu.memory_space<vmem>> -> memref<80xi32, #tpu.memory_space<vmem>>
      %dma_start3A_48 = arith.constant 0 : i32
      %dma_start3A_49 = tpu.memref_slice %arg7[%dma_start3A_48] : memref<10240xf32, #tpu.memory_space<vmem_shared>> -> memref<10240xf32, #tpu.memory_space<vmem_shared>>
      tpu.enqueue_indirect_dma source(%arg5 : memref<80xf32, #tpu.memory_space<vmem>>) target(%dma_start3A_49 : memref<10240xf32, #tpu.memory_space<vmem_shared>>) offsets(%dma_start3A_47 : memref<80xi32, #tpu.memory_space<vmem>>) semaphore(%arg8 : memref<!tpu.dma_semaphore, #tpu.memory_space<semaphore_mem>>) {add = true}
      %mul3A_50 = arith.constant 5 : i32
      %mul3A_51 = arith.muli %add3A_40, %mul3A_50 : i32
      %add3A_52 = arith.constant 1 : i32
      %add3A_53 = arith.addi %mul3A_51, %add3A_52 : i32
      %dma_start3A_54 = arith.constant 0 : i32
      %dma_start3A_55 = tpu.memref_slice %arg4[%add3A_53, %dma_start3A_54] : memref<125x80xi32, #tpu.memory_space<vmem>> -> memref<1x80xi32, #tpu.memory_space<vmem>>
      %dma_start3A_56 = tpu.memref_squeeze %dma_start3A_55 : memref<1x80xi32, #tpu.memory_space<vmem>> -> memref<80xi32, #tpu.memory_space<vmem>>
      %dma_start3A_57 = arith.constant 0 : i32
      %dma_start3A_58 = tpu.memref_slice %arg7[%dma_start3A_57] : memref<10240xf32, #tpu.memory_space<vmem_shared>> -> memref<10240xf32, #tpu.memory_space<vmem_shared>>
      tpu.enqueue_indirect_dma source(%arg5 : memref<80xf32, #tpu.memory_space<vmem>>) target(%dma_start3A_58 : memref<10240xf32, #tpu.memory_space<vmem_shared>>) offsets(%dma_start3A_56 : memref<80xi32, #tpu.memory_space<vmem>>) semaphore(%arg8 : memref<!tpu.dma_semaphore, #tpu.memory_space<semaphore_mem>>) {add = true}
      %mul3A_59 = arith.constant 5 : i32
      %mul3A_60 = arith.muli %add3A_40, %mul3A_59 : i32
      %add3A_61 = arith.constant 2 : i32
      %add3A_62 = arith.addi %mul3A_60, %add3A_61 : i32
      %dma_start3A_63 = arith.constant 0 : i32
      %dma_start3A_64 = tpu.memref_slice %arg4[%add3A_62, %dma_start3A_63] : memref<125x80xi32, #tpu.memory_space<vmem>> -> memref<1x80xi32, #tpu.memory_space<vmem>>
      %dma_start3A_65 = tpu.memref_squeeze %dma_start3A_64 : memref<1x80xi32, #tpu.memory_space<vmem>> -> memref<80xi32, #tpu.memory_space<vmem>>
      %dma_start3A_66 = arith.constant 0 : i32
      %dma_start3A_67 = tpu.memref_slice %arg7[%dma_start3A_66] : memref<10240xf32, #tpu.memory_space<vmem_shared>> -> memref<10240xf32, #tpu.memory_space<vmem_shared>>
      tpu.enqueue_indirect_dma source(%arg5 : memref<80xf32, #tpu.memory_space<vmem>>) target(%dma_start3A_67 : memref<10240xf32, #tpu.memory_space<vmem_shared>>) offsets(%dma_start3A_65 : memref<80xi32, #tpu.memory_space<vmem>>) semaphore(%arg8 : memref<!tpu.dma_semaphore, #tpu.memory_space<semaphore_mem>>) {add = true}
      %mul3A_68 = arith.constant 5 : i32
      %mul3A_69 = arith.muli %add3A_40, %mul3A_68 : i32
      %add3A_70 = arith.constant 3 : i32
      %add3A_71 = arith.addi %mul3A_69, %add3A_70 : i32
      %dma_start3A_72 = arith.constant 0 : i32
      %dma_start3A_73 = tpu.memref_slice %arg4[%add3A_71, %dma_start3A_72] : memref<125x80xi32, #tpu.memory_space<vmem>> -> memref<1x80xi32, #tpu.memory_space<vmem>>
      %dma_start3A_74 = tpu.memref_squeeze %dma_start3A_73 : memref<1x80xi32, #tpu.memory_space<vmem>> -> memref<80xi32, #tpu.memory_space<vmem>>
      %dma_start3A_75 = arith.constant 0 : i32
      %dma_start3A_76 = tpu.memref_slice %arg7[%dma_start3A_75] : memref<10240xf32, #tpu.memory_space<vmem_shared>> -> memref<10240xf32, #tpu.memory_space<vmem_shared>>
      tpu.enqueue_indirect_dma source(%arg5 : memref<80xf32, #tpu.memory_space<vmem>>) target(%dma_start3A_76 : memref<10240xf32, #tpu.memory_space<vmem_shared>>) offsets(%dma_start3A_74 : memref<80xi32, #tpu.memory_space<vmem>>) semaphore(%arg8 : memref<!tpu.dma_semaphore, #tpu.memory_space<semaphore_mem>>) {add = true}
      %mul3A_77 = arith.constant 5 : i32
      %mul3A_78 = arith.muli %add3A_40, %mul3A_77 : i32
      %add3A_79 = arith.constant 4 : i32
      %add3A_80 = arith.addi %mul3A_78, %add3A_79 : i32
      %dma_start3A_81 = arith.constant 0 : i32
      %dma_start3A_82 = tpu.memref_slice %arg4[%add3A_80, %dma_start3A_81] : memref<125x80xi32, #tpu.memory_space<vmem>> -> memref<1x80xi32, #tpu.memory_space<vmem>>
      %dma_start3A_83 = tpu.memref_squeeze %dma_start3A_82 : memref<1x80xi32, #tpu.memory_space<vmem>> -> memref<80xi32, #tpu.memory_space<vmem>>
      %dma_start3A_84 = arith.constant 0 : i32
      %dma_start3A_85 = tpu.memref_slice %arg7[%dma_start3A_84] : memref<10240xf32, #tpu.memory_space<vmem_shared>> -> memref<10240xf32, #tpu.memory_space<vmem_shared>>
      tpu.enqueue_indirect_dma source(%arg5 : memref<80xf32, #tpu.memory_space<vmem>>) target(%dma_start3A_85 : memref<10240xf32, #tpu.memory_space<vmem_shared>>) offsets(%dma_start3A_83 : memref<80xi32, #tpu.memory_space<vmem>>) semaphore(%arg8 : memref<!tpu.dma_semaphore, #tpu.memory_space<semaphore_mem>>) {add = true}
      %mul3A_86 = arith.constant 5 : i32
      %mul3A_87 = arith.muli %add3A_40, %mul3A_86 : i32
      %add3A_88 = arith.constant 0 : i32
      %add3A_89 = arith.addi %mul3A_87, %add3A_88 : i32
      %dma_wait3A_90 = arith.constant 0 : i32
      %dma_wait3A_91 = tpu.memref_slice %arg4[%add3A_89, %dma_wait3A_90] : memref<125x80xi32, #tpu.memory_space<vmem>> -> memref<1x80xi32, #tpu.memory_space<vmem>>
      %dma_wait3A_92 = tpu.memref_squeeze %dma_wait3A_91 : memref<1x80xi32, #tpu.memory_space<vmem>> -> memref<80xi32, #tpu.memory_space<vmem>>
      %dma_wait3A_93 = arith.constant 0 : i32
      %dma_wait3A_94 = tpu.memref_slice %arg7[%dma_wait3A_93] : memref<10240xf32, #tpu.memory_space<vmem_shared>> -> memref<10240xf32, #tpu.memory_space<vmem_shared>>
      tpu.wait_indirect_dma semaphore(%arg8 : memref<!tpu.dma_semaphore, #tpu.memory_space<semaphore_mem>>) src(%arg5 : memref<80xf32, #tpu.memory_space<vmem>>) dst(%dma_wait3A_94 : memref<10240xf32, #tpu.memory_space<vmem_shared>>)
      %mul3A_95 = arith.constant 5 : i32
      %mul3A_96 = arith.muli %add3A_40, %mul3A_95 : i32
      %add3A_97 = arith.constant 1 : i32
      %add3A_98 = arith.addi %mul3A_96, %add3A_97 : i32
      %dma_wait3A_99 = arith.constant 0 : i32
      %dma_wait3A_100 = tpu.memref_slice %arg4[%add3A_98, %dma_wait3A_99] : memref<125x80xi32, #tpu.memory_space<vmem>> -> memref<1x80xi32, #tpu.memory_space<vmem>>
      %dma_wait3A_101 = tpu.memref_squeeze %dma_wait3A_100 : memref<1x80xi32, #tpu.memory_space<vmem>> -> memref<80xi32, #tpu.memory_space<vmem>>
      %dma_wait3A_102 = arith.constant 0 : i32
      %dma_wait3A_103 = tpu.memref_slice %arg7[%dma_wait3A_102] : memref<10240xf32, #tpu.memory_space<vmem_shared>> -> memref<10240xf32, #tpu.memory_space<vmem_shared>>
      tpu.wait_indirect_dma semaphore(%arg8 : memref<!tpu.dma_semaphore, #tpu.memory_space<semaphore_mem>>) src(%arg5 : memref<80xf32, #tpu.memory_space<vmem>>) dst(%dma_wait3A_103 : memref<10240xf32, #tpu.memory_space<vmem_shared>>)
      %mul3A_104 = arith.constant 5 : i32
      %mul3A_105 = arith.muli %add3A_40, %mul3A_104 : i32
      %add3A_106 = arith.constant 2 : i32
      %add3A_107 = arith.addi %mul3A_105, %add3A_106 : i32
      %dma_wait3A_108 = arith.constant 0 : i32
      %dma_wait3A_109 = tpu.memref_slice %arg4[%add3A_107, %dma_wait3A_108] : memref<125x80xi32, #tpu.memory_space<vmem>> -> memref<1x80xi32, #tpu.memory_space<vmem>>
      %dma_wait3A_110 = tpu.memref_squeeze %dma_wait3A_109 : memref<1x80xi32, #tpu.memory_space<vmem>> -> memref<80xi32, #tpu.memory_space<vmem>>
      %dma_wait3A_111 = arith.constant 0 : i32
      %dma_wait3A_112 = tpu.memref_slice %arg7[%dma_wait3A_111] : memref<10240xf32, #tpu.memory_space<vmem_shared>> -> memref<10240xf32, #tpu.memory_space<vmem_shared>>
      tpu.wait_indirect_dma semaphore(%arg8 : memref<!tpu.dma_semaphore, #tpu.memory_space<semaphore_mem>>) src(%arg5 : memref<80xf32, #tpu.memory_space<vmem>>) dst(%dma_wait3A_112 : memref<10240xf32, #tpu.memory_space<vmem_shared>>)
      %mul3A_113 = arith.constant 5 : i32
      %mul3A_114 = arith.muli %add3A_40, %mul3A_113 : i32
      %add3A_115 = arith.constant 3 : i32
      %add3A_116 = arith.addi %mul3A_114, %add3A_115 : i32
      %dma_wait3A_117 = arith.constant 0 : i32
      %dma_wait3A_118 = tpu.memref_slice %arg4[%add3A_116, %dma_wait3A_117] : memref<125x80xi32, #tpu.memory_space<vmem>> -> memref<1x80xi32, #tpu.memory_space<vmem>>
      %dma_wait3A_119 = tpu.memref_squeeze %dma_wait3A_118 : memref<1x80xi32, #tpu.memory_space<vmem>> -> memref<80xi32, #tpu.memory_space<vmem>>
      %dma_wait3A_120 = arith.constant 0 : i32
      %dma_wait3A_121 = tpu.memref_slice %arg7[%dma_wait3A_120] : memref<10240xf32, #tpu.memory_space<vmem_shared>> -> memref<10240xf32, #tpu.memory_space<vmem_shared>>
      tpu.wait_indirect_dma semaphore(%arg8 : memref<!tpu.dma_semaphore, #tpu.memory_space<semaphore_mem>>) src(%arg5 : memref<80xf32, #tpu.memory_space<vmem>>) dst(%dma_wait3A_121 : memref<10240xf32, #tpu.memory_space<vmem_shared>>)
      %mul3A_122 = arith.constant 5 : i32
      %mul3A_123 = arith.muli %add3A_40, %mul3A_122 : i32
      %add3A_124 = arith.constant 4 : i32
      %add3A_125 = arith.addi %mul3A_123, %add3A_124 : i32
      %dma_wait3A_126 = arith.constant 0 : i32
      %dma_wait3A_127 = tpu.memref_slice %arg4[%add3A_125, %dma_wait3A_126] : memref<125x80xi32, #tpu.memory_space<vmem>> -> memref<1x80xi32, #tpu.memory_space<vmem>>
      %dma_wait3A_128 = tpu.memref_squeeze %dma_wait3A_127 : memref<1x80xi32, #tpu.memory_space<vmem>> -> memref<80xi32, #tpu.memory_space<vmem>>
      %dma_wait3A_129 = arith.constant 0 : i32
      %dma_wait3A_130 = tpu.memref_slice %arg7[%dma_wait3A_129] : memref<10240xf32, #tpu.memory_space<vmem_shared>> -> memref<10240xf32, #tpu.memory_space<vmem_shared>>
      tpu.wait_indirect_dma semaphore(%arg8 : memref<!tpu.dma_semaphore, #tpu.memory_space<semaphore_mem>>) src(%arg5 : memref<80xf32, #tpu.memory_space<vmem>>) dst(%dma_wait3A_130 : memref<10240xf32, #tpu.memory_space<vmem_shared>>)
    }
    %scan3A_30 = arith.constant 25 : i32
    %barrier3A_31 = arith.constant 0 : index
    tpu.barrier barrier_id(%barrier3A_31)
    %mul3A_32 = arith.constant 640 : i32
    %mul3A_33 = arith.muli %arg1, %mul3A_32 : i32
    %mul3A_34 = arith.constant 640 : i32
    %mul3A_35 = arith.muli %arg1, %mul3A_34 : i32
    "tpu.region"() ({
      %run_scoped3A = tpu.sem_alloc : memref<!tpu.dma_semaphore, #tpu.memory_space<semaphore_mem>>
      %dma_start3A_36 = tpu.memref_slice %arg3[%arg0, %mul3A_35] : memref<2x10240xf32, #tpu.memory_space<hbm>> -> memref<1x640xf32, #tpu.memory_space<hbm>>
      %dma_start3A_37 = tpu.memref_squeeze %dma_start3A_36 : memref<1x640xf32, #tpu.memory_space<hbm>> -> memref<640xf32, #tpu.memory_space<hbm>>
      %dma_start3A_38 = tpu.memref_slice %arg7[%mul3A_33] : memref<10240xf32, #tpu.memory_space<vmem_shared>> -> memref<640xf32, #tpu.memory_space<vmem_shared>>
      tpu.enqueue_dma source(%dma_start3A_38 : memref<640xf32, #tpu.memory_space<vmem_shared>>) target(%dma_start3A_37 : memref<640xf32, #tpu.memory_space<hbm>>) target_semaphore(%run_scoped3A : memref<!tpu.dma_semaphore, #tpu.memory_space<semaphore_mem>>)
      %dma_wait3A_39 = tpu.memref_slice %arg3[%arg0, %mul3A_35] : memref<2x10240xf32, #tpu.memory_space<hbm>> -> memref<1x640xf32, #tpu.memory_space<hbm>>
      %dma_wait3A_40 = tpu.memref_squeeze %dma_wait3A_39 : memref<1x640xf32, #tpu.memory_space<hbm>> -> memref<640xf32, #tpu.memory_space<hbm>>
      %dma_wait3A_41 = tpu.memref_slice %arg7[%mul3A_33] : memref<10240xf32, #tpu.memory_space<vmem_shared>> -> memref<640xf32, #tpu.memory_space<vmem_shared>>
      tpu.wait_dma2 semaphore(%run_scoped3A : memref<!tpu.dma_semaphore, #tpu.memory_space<semaphore_mem>>) src(%dma_wait3A_41 : memref<640xf32, #tpu.memory_space<vmem_shared>>) dst(%dma_wait3A_40 : memref<640xf32, #tpu.memory_space<hbm>>)
      tpu.yield
    }) : () -> ()
    return
  }
}

#map = affine_map<(d0, d1) -> (0, 0)>
#map1 = affine_map<(d0, d1) -> (0, 0, 0)>
module attributes {stable_mosaic.version = 14 : i64} {
  func.func @scat_kernel(%arg0: i32, %arg1: i32, %arg2: memref<10112x128xf32, #tpu.memory_space<hbm>>, %arg3: memref<32x10080xi32, #tpu.memory_space<hbm>>, %arg4: memref<32x105x96xi32, #tpu.memory_space<hbm>>, %arg5: memref<2x10112x128xf32, #tpu.memory_space<hbm>>, %arg6: memref<10080xi32, #tpu.memory_space<vmem>>, %arg7: memref<105x96xi32, #tpu.memory_space<vmem>>, %arg8: memref<96x128xf32, #tpu.memory_space<vmem>>, %arg9: memref<96x128xf32, #tpu.memory_space<vmem>>, %arg10: memref<10112x128xf32, #tpu.memory_space<vmem_shared>>, %arg11: memref<!tpu.dma_semaphore, #tpu.memory_space<semaphore_mem>>, %arg12: memref<!tpu.dma_semaphore, #tpu.memory_space<semaphore_mem>>) attributes {dimension_semantics = [#tpu.dimension_semantics<core_parallel>, #tpu.dimension_semantics<subcore_parallel>], iteration_bounds = array<i64: 2, 16>, scalar_prefetch = 0 : i64, scratch_operands = 7 : i64, tpu.core_type = #tpu.core_type<sc_vector_subcore>, window_params = [{transform_indices = #map}, {transform_indices = #map}, {transform_indices = #map1}, {transform_indices = #map1}]} {
    %mul3A = arith.constant 16 : i32
    %mul3A_0 = arith.muli %arg0, %mul3A : i32
    %add3A = arith.addi %mul3A_0, %arg1 : i32
    %dma_start3A = arith.constant 0 : i32
    %dma_start3A_1 = tpu.memref_slice %arg3[%add3A, %dma_start3A] : memref<32x10080xi32, #tpu.memory_space<hbm>> -> memref<1x10080xi32, #tpu.memory_space<hbm>>
    %dma_start3A_2 = tpu.memref_squeeze %dma_start3A_1 : memref<1x10080xi32, #tpu.memory_space<hbm>> -> memref<10080xi32, #tpu.memory_space<hbm>>
    %dma_start3A_3 = arith.constant 0 : i32
    %dma_start3A_4 = tpu.memref_slice %arg3[%add3A, %dma_start3A_3] : memref<32x10080xi32, #tpu.memory_space<hbm>> -> memref<1x10080xi32, #tpu.memory_space<hbm>>
    %dma_start3A_5 = tpu.memref_squeeze %dma_start3A_4 : memref<1x10080xi32, #tpu.memory_space<hbm>> -> memref<10080xi32, #tpu.memory_space<hbm>>
    tpu.enqueue_dma source(%dma_start3A_5 : memref<10080xi32, #tpu.memory_space<hbm>>) target(%arg6 : memref<10080xi32, #tpu.memory_space<vmem>>) target_semaphore(%arg11 : memref<!tpu.dma_semaphore, #tpu.memory_space<semaphore_mem>>)
    %dma_start3A_6 = arith.constant 0 : i32
    %dma_start3A_7 = arith.constant 0 : i32
    %dma_start3A_8 = tpu.memref_slice %arg4[%add3A, %dma_start3A_6, %dma_start3A_7] : memref<32x105x96xi32, #tpu.memory_space<hbm>> -> memref<1x105x96xi32, #tpu.memory_space<hbm>>
    %dma_start3A_9 = tpu.memref_squeeze %dma_start3A_8 : memref<1x105x96xi32, #tpu.memory_space<hbm>> -> memref<105x96xi32, #tpu.memory_space<hbm>>
    %dma_start3A_10 = arith.constant 0 : i32
    %dma_start3A_11 = arith.constant 0 : i32
    %dma_start3A_12 = tpu.memref_slice %arg4[%add3A, %dma_start3A_10, %dma_start3A_11] : memref<32x105x96xi32, #tpu.memory_space<hbm>> -> memref<1x105x96xi32, #tpu.memory_space<hbm>>
    %dma_start3A_13 = tpu.memref_squeeze %dma_start3A_12 : memref<1x105x96xi32, #tpu.memory_space<hbm>> -> memref<105x96xi32, #tpu.memory_space<hbm>>
    tpu.enqueue_dma source(%dma_start3A_13 : memref<105x96xi32, #tpu.memory_space<hbm>>) target(%arg7 : memref<105x96xi32, #tpu.memory_space<vmem>>) target_semaphore(%arg12 : memref<!tpu.dma_semaphore, #tpu.memory_space<semaphore_mem>>)
    %mul3A_14 = arith.constant 632 : i32
    %mul3A_15 = arith.muli %arg1, %mul3A_14 : i32
    %eq3A = arith.constant 0 : i32
    %eq3A_16 = arith.cmpi eq, %arg0, %eq3A : i32
    %convert_element_type3A = arith.extui %eq3A_16 : i1 to i32
    %cond3A = arith.constant 0 : i32
    %cond3A_17 = arith.cmpi ne, %convert_element_type3A, %cond3A : i32
    scf.if %cond3A_17 {
      "tpu.region"() ({
        %run_scoped3A_50 = tpu.sem_alloc : memref<!tpu.dma_semaphore, #tpu.memory_space<semaphore_mem>>
        %dma_start3A_51 = arith.constant 0 : i32
        %dma_start3A_52 = tpu.memref_slice %arg10[%mul3A_15, %dma_start3A_51] : memref<10112x128xf32, #tpu.memory_space<vmem_shared>> -> memref<632x128xf32, #tpu.memory_space<vmem_shared>>
        %dma_start3A_53 = arith.constant 0 : i32
        %dma_start3A_54 = tpu.memref_slice %arg2[%mul3A_15, %dma_start3A_53] : memref<10112x128xf32, #tpu.memory_space<hbm>> -> memref<632x128xf32, #tpu.memory_space<hbm>>
        tpu.enqueue_dma source(%dma_start3A_54 : memref<632x128xf32, #tpu.memory_space<hbm>>) target(%dma_start3A_52 : memref<632x128xf32, #tpu.memory_space<vmem_shared>>) target_semaphore(%run_scoped3A_50 : memref<!tpu.dma_semaphore, #tpu.memory_space<semaphore_mem>>)
        %dma_wait3A_55 = arith.constant 0 : i32
        %dma_wait3A_56 = tpu.memref_slice %arg10[%mul3A_15, %dma_wait3A_55] : memref<10112x128xf32, #tpu.memory_space<vmem_shared>> -> memref<632x128xf32, #tpu.memory_space<vmem_shared>>
        %dma_wait3A_57 = arith.constant 0 : i32
        %dma_wait3A_58 = tpu.memref_slice %arg2[%mul3A_15, %dma_wait3A_57] : memref<10112x128xf32, #tpu.memory_space<hbm>> -> memref<632x128xf32, #tpu.memory_space<hbm>>
        tpu.wait_dma2 semaphore(%run_scoped3A_50 : memref<!tpu.dma_semaphore, #tpu.memory_space<semaphore_mem>>) src(%dma_wait3A_58 : memref<632x128xf32, #tpu.memory_space<hbm>>) dst(%dma_wait3A_56 : memref<632x128xf32, #tpu.memory_space<vmem_shared>>)
        tpu.yield
      }) : () -> ()
    } else {
    }
    %ne3A = arith.constant 0 : i32
    %ne3A_18 = arith.cmpi ne, %arg0, %ne3A : i32
    %convert_element_type3A_19 = arith.extui %ne3A_18 : i1 to i32
    %cond3A_20 = arith.constant 0 : i32
    %cond3A_21 = arith.cmpi ne, %convert_element_type3A_19, %cond3A_20 : i32
    scf.if %cond3A_21 {
      %scan3A_50 = arith.constant 0 : i32
      %scan3A_51 = arith.constant 96 : i32
      %scan3A_52 = arith.addi %scan3A_50, %scan3A_51 : i32
      %scan3A_53 = arith.constant 1 : i32
      scf.for %scan3A_62 = %scan3A_50 to %scan3A_52 step %scan3A_53  : i32 {
        %mul3A_63 = arith.constant 1 : i32
        %mul3A_64 = arith.muli %scan3A_62, %mul3A_63 : i32
        %add3A_65 = arith.constant 0 : i32
        %add3A_66 = arith.addi %add3A_65, %mul3A_64 : i32
        %scan3A_67 = arith.constant 0 : i32
        %scan3A_68 = arith.constant 8 : i32
        %scan3A_69 = arith.addi %scan3A_67, %scan3A_68 : i32
        %scan3A_70 = arith.constant 1 : i32
        scf.for %scan3A_72 = %scan3A_67 to %scan3A_69 step %scan3A_70  : i32 {
          %mul3A_73 = arith.constant 1 : i32
          %mul3A_74 = arith.muli %scan3A_72, %mul3A_73 : i32
          %add3A_75 = arith.constant 0 : i32
          %add3A_76 = arith.addi %add3A_75, %mul3A_74 : i32
          %broadcast_in_dim3A = arith.constant 0.000000e+00 : f32
          %broadcast_in_dim3A_77 = vector.broadcast %broadcast_in_dim3A : f32 to vector<16xf32>
          %mul3A_78 = arith.constant 16 : i32
          %mul3A_79 = arith.muli %add3A_76, %mul3A_78 : i32
          %swap3A = arith.index_cast %add3A_66 : i32 to index
          %swap3A_80 = arith.index_cast %mul3A_79 : i32 to index
          %swap3A_81 = tpu.vector_load %arg8[%swap3A, %swap3A_80] {strides = array<i32>} : memref<96x128xf32, #tpu.memory_space<vmem>>, vector<1x16xf32>,
          %swap3A_82 = vector.shape_cast %swap3A_81 : vector<1x16xf32> to vector<16xf32>
          %swap3A_83 = vector.shape_cast %broadcast_in_dim3A_77 : vector<16xf32> to vector<1x16xf32>
          tpu.vector_store %arg8[%swap3A, %swap3A_80], %swap3A_83 {strides = array<i32>} : memref<96x128xf32, #tpu.memory_space<vmem>>, vector<1x16xf32>,
        }
        %scan3A_71 = arith.constant 8 : i32
      }
      %scan3A_54 = arith.constant 96 : i32
      %scan3A_55 = arith.constant 0 : i32
      %scan3A_56 = arith.constant 6 : i32
      %scan3A_57 = arith.addi %scan3A_55, %scan3A_56 : i32
      %scan3A_58 = arith.constant 1 : i32
      scf.for %scan3A_62 = %scan3A_55 to %scan3A_57 step %scan3A_58  : i32 {
        %mul3A_63 = arith.constant 1 : i32
        %mul3A_64 = arith.muli %scan3A_62, %mul3A_63 : i32
        %add3A_65 = arith.constant 0 : i32
        %add3A_66 = arith.addi %add3A_65, %mul3A_64 : i32
        %mul3A_67 = arith.constant 96 : i32
        %mul3A_68 = arith.muli %add3A_66, %mul3A_67 : i32
        %add3A_69 = arith.addi %mul3A_15, %mul3A_68 : i32
        "tpu.region"() ({
          %run_scoped3A_70 = tpu.sem_alloc : memref<!tpu.dma_semaphore, #tpu.memory_space<semaphore_mem>>
          %dma_start3A_71 = arith.constant 0 : i32
          %dma_start3A_72 = tpu.memref_slice %arg10[%add3A_69, %dma_start3A_71] : memref<10112x128xf32, #tpu.memory_space<vmem_shared>> -> memref<96x128xf32, #tpu.memory_space<vmem_shared>>
          %dma_start3A_73 = arith.constant 0 : i32
          %dma_start3A_74 = tpu.memref_slice %arg10[%add3A_69, %dma_start3A_73] : memref<10112x128xf32, #tpu.memory_space<vmem_shared>> -> memref<96x128xf32, #tpu.memory_space<vmem_shared>>
          tpu.enqueue_dma source(%arg8 : memref<96x128xf32, #tpu.memory_space<vmem>>) target(%dma_start3A_74 : memref<96x128xf32, #tpu.memory_space<vmem_shared>>) target_semaphore(%run_scoped3A_70 : memref<!tpu.dma_semaphore, #tpu.memory_space<semaphore_mem>>)
          %dma_wait3A_75 = arith.constant 0 : i32
          %dma_wait3A_76 = tpu.memref_slice %arg10[%add3A_69, %dma_wait3A_75] : memref<10112x128xf32, #tpu.memory_space<vmem_shared>> -> memref<96x128xf32, #tpu.memory_space<vmem_shared>>
          %dma_wait3A_77 = arith.constant 0 : i32
          %dma_wait3A_78 = tpu.memref_slice %arg10[%add3A_69, %dma_wait3A_77] : memref<10112x128xf32, #tpu.memory_space<vmem_shared>> -> memref<96x128xf32, #tpu.memory_space<vmem_shared>>
          tpu.wait_dma2 semaphore(%run_scoped3A_70 : memref<!tpu.dma_semaphore, #tpu.memory_space<semaphore_mem>>) src(%arg8 : memref<96x128xf32, #tpu.memory_space<vmem>>) dst(%dma_wait3A_78 : memref<96x128xf32, #tpu.memory_space<vmem_shared>>)
          tpu.yield
        }) : () -> ()
      }
      %scan3A_59 = arith.constant 6 : i32
      %add3A_60 = arith.constant 576 : i32
      %add3A_61 = arith.addi %mul3A_15, %add3A_60 : i32
      "tpu.region"() ({
        %run_scoped3A_62 = tpu.sem_alloc : memref<!tpu.dma_semaphore, #tpu.memory_space<semaphore_mem>>
        %dma_start3A_63 = arith.constant 0 : i32
        %dma_start3A_64 = arith.constant 0 : i32
        %dma_start3A_65 = tpu.memref_slice %arg8[%dma_start3A_63, %dma_start3A_64] : memref<96x128xf32, #tpu.memory_space<vmem>> -> memref<56x128xf32, #tpu.memory_space<vmem>>
        %dma_start3A_66 = arith.constant 0 : i32
        %dma_start3A_67 = tpu.memref_slice %arg10[%add3A_61, %dma_start3A_66] : memref<10112x128xf32, #tpu.memory_space<vmem_shared>> -> memref<56x128xf32, #tpu.memory_space<vmem_shared>>
        %dma_start3A_68 = arith.constant 0 : i32
        %dma_start3A_69 = tpu.memref_slice %arg10[%add3A_61, %dma_start3A_68] : memref<10112x128xf32, #tpu.memory_space<vmem_shared>> -> memref<56x128xf32, #tpu.memory_space<vmem_shared>>
        %dma_start3A_70 = arith.constant 0 : i32
        %dma_start3A_71 = arith.constant 0 : i32
        %dma_start3A_72 = tpu.memref_slice %arg8[%dma_start3A_70, %dma_start3A_71] : memref<96x128xf32, #tpu.memory_space<vmem>> -> memref<56x128xf32, #tpu.memory_space<vmem>>
        tpu.enqueue_dma source(%dma_start3A_72 : memref<56x128xf32, #tpu.memory_space<vmem>>) target(%dma_start3A_69 : memref<56x128xf32, #tpu.memory_space<vmem_shared>>) target_semaphore(%run_scoped3A_62 : memref<!tpu.dma_semaphore, #tpu.memory_space<semaphore_mem>>)
        %dma_wait3A_73 = arith.constant 0 : i32
        %dma_wait3A_74 = arith.constant 0 : i32
        %dma_wait3A_75 = tpu.memref_slice %arg8[%dma_wait3A_73, %dma_wait3A_74] : memref<96x128xf32, #tpu.memory_space<vmem>> -> memref<56x128xf32, #tpu.memory_space<vmem>>
        %dma_wait3A_76 = arith.constant 0 : i32
        %dma_wait3A_77 = tpu.memref_slice %arg10[%add3A_61, %dma_wait3A_76] : memref<10112x128xf32, #tpu.memory_space<vmem_shared>> -> memref<56x128xf32, #tpu.memory_space<vmem_shared>>
        %dma_wait3A_78 = arith.constant 0 : i32
        %dma_wait3A_79 = tpu.memref_slice %arg10[%add3A_61, %dma_wait3A_78] : memref<10112x128xf32, #tpu.memory_space<vmem_shared>> -> memref<56x128xf32, #tpu.memory_space<vmem_shared>>
        %dma_wait3A_80 = arith.constant 0 : i32
        %dma_wait3A_81 = arith.constant 0 : i32
        %dma_wait3A_82 = tpu.memref_slice %arg8[%dma_wait3A_80, %dma_wait3A_81] : memref<96x128xf32, #tpu.memory_space<vmem>> -> memref<56x128xf32, #tpu.memory_space<vmem>>
        tpu.wait_dma2 semaphore(%run_scoped3A_62 : memref<!tpu.dma_semaphore, #tpu.memory_space<semaphore_mem>>) src(%dma_wait3A_82 : memref<56x128xf32, #tpu.memory_space<vmem>>) dst(%dma_wait3A_79 : memref<56x128xf32, #tpu.memory_space<vmem_shared>>)
        tpu.yield
      }) : () -> ()
    } else {
    }
    %dma_wait3A = arith.constant 0 : i32
    %dma_wait3A_22 = tpu.memref_slice %arg3[%add3A, %dma_wait3A] : memref<32x10080xi32, #tpu.memory_space<hbm>> -> memref<1x10080xi32, #tpu.memory_space<hbm>>
    %dma_wait3A_23 = tpu.memref_squeeze %dma_wait3A_22 : memref<1x10080xi32, #tpu.memory_space<hbm>> -> memref<10080xi32, #tpu.memory_space<hbm>>
    %dma_wait3A_24 = arith.constant 0 : i32
    %dma_wait3A_25 = tpu.memref_slice %arg3[%add3A, %dma_wait3A_24] : memref<32x10080xi32, #tpu.memory_space<hbm>> -> memref<1x10080xi32, #tpu.memory_space<hbm>>
    %dma_wait3A_26 = tpu.memref_squeeze %dma_wait3A_25 : memref<1x10080xi32, #tpu.memory_space<hbm>> -> memref<10080xi32, #tpu.memory_space<hbm>>
    tpu.wait_dma2 semaphore(%arg11 : memref<!tpu.dma_semaphore, #tpu.memory_space<semaphore_mem>>) src(%dma_wait3A_26 : memref<10080xi32, #tpu.memory_space<hbm>>) dst(%arg6 : memref<10080xi32, #tpu.memory_space<vmem>>)
    %dma_wait3A_27 = arith.constant 0 : i32
    %dma_wait3A_28 = arith.constant 0 : i32
    %dma_wait3A_29 = tpu.memref_slice %arg4[%add3A, %dma_wait3A_27, %dma_wait3A_28] : memref<32x105x96xi32, #tpu.memory_space<hbm>> -> memref<1x105x96xi32, #tpu.memory_space<hbm>>
    %dma_wait3A_30 = tpu.memref_squeeze %dma_wait3A_29 : memref<1x105x96xi32, #tpu.memory_space<hbm>> -> memref<105x96xi32, #tpu.memory_space<hbm>>
    %dma_wait3A_31 = arith.constant 0 : i32
    %dma_wait3A_32 = arith.constant 0 : i32
    %dma_wait3A_33 = tpu.memref_slice %arg4[%add3A, %dma_wait3A_31, %dma_wait3A_32] : memref<32x105x96xi32, #tpu.memory_space<hbm>> -> memref<1x105x96xi32, #tpu.memory_space<hbm>>
    %dma_wait3A_34 = tpu.memref_squeeze %dma_wait3A_33 : memref<1x105x96xi32, #tpu.memory_space<hbm>> -> memref<105x96xi32, #tpu.memory_space<hbm>>
    tpu.wait_dma2 semaphore(%arg12 : memref<!tpu.dma_semaphore, #tpu.memory_space<semaphore_mem>>) src(%dma_wait3A_34 : memref<105x96xi32, #tpu.memory_space<hbm>>) dst(%arg7 : memref<105x96xi32, #tpu.memory_space<vmem>>)
    %dma_start3A_35 = arith.constant 0 : i32
    %dma_start3A_36 = tpu.memref_slice %arg6[%dma_start3A_35] : memref<10080xi32, #tpu.memory_space<vmem>> -> memref<96xi32, #tpu.memory_space<vmem>>
    %dma_start3A_37 = arith.constant 0 : i32
    %dma_start3A_38 = arith.constant 0 : i32
    %dma_start3A_39 = tpu.memref_slice %arg2[%dma_start3A_37, %dma_start3A_38] : memref<10112x128xf32, #tpu.memory_space<hbm>> -> memref<10112x128xf32, #tpu.memory_space<hbm>>
    tpu.enqueue_indirect_dma source(%dma_start3A_39 : memref<10112x128xf32, #tpu.memory_space<hbm>>) target(%arg8 : memref<96x128xf32, #tpu.memory_space<vmem>>) offsets(%dma_start3A_36 : memref<96xi32, #tpu.memory_space<vmem>>) semaphore(%arg11 : memref<!tpu.dma_semaphore, #tpu.memory_space<semaphore_mem>>)
    %barrier3A = arith.constant 0 : index
    tpu.barrier barrier_id(%barrier3A)
    %scan3A = arith.constant 0 : i32
    %scan3A_40 = arith.constant 52 : i32
    %scan3A_41 = arith.addi %scan3A, %scan3A_40 : i32
    %scan3A_42 = arith.constant 1 : i32
    scf.for %scan3A_50 = %scan3A to %scan3A_41 step %scan3A_42  : i32 {
      %mul3A_51 = arith.constant 1 : i32
      %mul3A_52 = arith.muli %scan3A_50, %mul3A_51 : i32
      %add3A_53 = arith.constant 0 : i32
      %add3A_54 = arith.addi %add3A_53, %mul3A_52 : i32
      %mul3A_55 = arith.constant 2 : i32
      %mul3A_56 = arith.muli %mul3A_55, %add3A_54 : i32
      %add3A_57 = arith.constant 1 : i32
      %add3A_58 = arith.addi %mul3A_56, %add3A_57 : i32
      %lt3A = arith.constant 105 : i32
      %lt3A_59 = arith.cmpi slt, %add3A_58, %lt3A : i32
      %convert_element_type3A_60 = arith.extui %lt3A_59 : i1 to i32
      %cond3A_61 = arith.constant 0 : i32
      %cond3A_62 = arith.cmpi ne, %convert_element_type3A_60, %cond3A_61 : i32
      scf.if %cond3A_62 {
        %add3A_83 = arith.constant 1 : i32
        %add3A_84 = arith.addi %mul3A_56, %add3A_83 : i32
        %mul3A_85 = arith.constant 96 : i32
        %mul3A_86 = arith.muli %add3A_84, %mul3A_85 : i32
        %dma_start3A_87 = tpu.memref_slice %arg6[%mul3A_86] : memref<10080xi32, #tpu.memory_space<vmem>> -> memref<96xi32, #tpu.memory_space<vmem>>
        %dma_start3A_88 = arith.constant 0 : i32
        %dma_start3A_89 = arith.constant 0 : i32
        %dma_start3A_90 = tpu.memref_slice %arg2[%dma_start3A_88, %dma_start3A_89] : memref<10112x128xf32, #tpu.memory_space<hbm>> -> memref<10112x128xf32, #tpu.memory_space<hbm>>
        tpu.enqueue_indirect_dma source(%dma_start3A_90 : memref<10112x128xf32, #tpu.memory_space<hbm>>) target(%arg9 : memref<96x128xf32, #tpu.memory_space<vmem>>) offsets(%dma_start3A_87 : memref<96xi32, #tpu.memory_space<vmem>>) semaphore(%arg12 : memref<!tpu.dma_semaphore, #tpu.memory_space<semaphore_mem>>)
      } else {
      }
      %mul3A_63 = arith.constant 96 : i32
      %mul3A_64 = arith.muli %mul3A_56, %mul3A_63 : i32
      %dma_wait3A_65 = tpu.memref_slice %arg6[%mul3A_64] : memref<10080xi32, #tpu.memory_space<vmem>> -> memref<96xi32, #tpu.memory_space<vmem>>
      %dma_wait3A_66 = arith.constant 0 : i32
      %dma_wait3A_67 = arith.constant 0 : i32
      %dma_wait3A_68 = tpu.memref_slice %arg2[%dma_wait3A_66, %dma_wait3A_67] : memref<10112x128xf32, #tpu.memory_space<hbm>> -> memref<10112x128xf32, #tpu.memory_space<hbm>>
      tpu.wait_indirect_dma semaphore(%arg11 : memref<!tpu.dma_semaphore, #tpu.memory_space<semaphore_mem>>) src(%dma_wait3A_68 : memref<10112x128xf32, #tpu.memory_space<hbm>>) dst(%arg8 : memref<96x128xf32, #tpu.memory_space<vmem>>)
      "tpu.region"() ({
        %run_scoped3A_83 = tpu.sem_alloc : memref<!tpu.dma_semaphore, #tpu.memory_space<semaphore_mem>>
        %dma_start3A_84 = arith.constant 0 : i32
        %dma_start3A_85 = tpu.memref_slice %arg7[%mul3A_56, %dma_start3A_84] : memref<105x96xi32, #tpu.memory_space<vmem>> -> memref<1x96xi32, #tpu.memory_space<vmem>>
        %dma_start3A_86 = tpu.memref_squeeze %dma_start3A_85 : memref<1x96xi32, #tpu.memory_space<vmem>> -> memref<96xi32, #tpu.memory_space<vmem>>
        %dma_start3A_87 = arith.constant 0 : i32
        %dma_start3A_88 = arith.constant 0 : i32
        %dma_start3A_89 = tpu.memref_slice %arg10[%dma_start3A_87, %dma_start3A_88] : memref<10112x128xf32, #tpu.memory_space<vmem_shared>> -> memref<10112x128xf32, #tpu.memory_space<vmem_shared>>
        tpu.enqueue_indirect_dma source(%arg8 : memref<96x128xf32, #tpu.memory_space<vmem>>) target(%dma_start3A_89 : memref<10112x128xf32, #tpu.memory_space<vmem_shared>>) offsets(%dma_start3A_86 : memref<96xi32, #tpu.memory_space<vmem>>) semaphore(%run_scoped3A_83 : memref<!tpu.dma_semaphore, #tpu.memory_space<semaphore_mem>>) {add = true}
        %dma_wait3A_90 = arith.constant 0 : i32
        %dma_wait3A_91 = tpu.memref_slice %arg7[%mul3A_56, %dma_wait3A_90] : memref<105x96xi32, #tpu.memory_space<vmem>> -> memref<1x96xi32, #tpu.memory_space<vmem>>
        %dma_wait3A_92 = tpu.memref_squeeze %dma_wait3A_91 : memref<1x96xi32, #tpu.memory_space<vmem>> -> memref<96xi32, #tpu.memory_space<vmem>>
        %dma_wait3A_93 = arith.constant 0 : i32
        %dma_wait3A_94 = arith.constant 0 : i32
        %dma_wait3A_95 = tpu.memref_slice %arg10[%dma_wait3A_93, %dma_wait3A_94] : memref<10112x128xf32, #tpu.memory_space<vmem_shared>> -> memref<10112x128xf32, #tpu.memory_space<vmem_shared>>
        tpu.wait_indirect_dma semaphore(%run_scoped3A_83 : memref<!tpu.dma_semaphore, #tpu.memory_space<semaphore_mem>>) src(%arg8 : memref<96x128xf32, #tpu.memory_space<vmem>>) dst(%dma_wait3A_95 : memref<10112x128xf32, #tpu.memory_space<vmem_shared>>)
        tpu.yield
      }) : () -> ()
      %add3A_69 = arith.constant 2 : i32
      %add3A_70 = arith.addi %mul3A_56, %add3A_69 : i32
      %lt3A_71 = arith.constant 105 : i32
      %lt3A_72 = arith.cmpi slt, %add3A_70, %lt3A_71 : i32
      %convert_element_type3A_73 = arith.extui %lt3A_72 : i1 to i32
      %cond3A_74 = arith.constant 0 : i32
      %cond3A_75 = arith.cmpi ne, %convert_element_type3A_73, %cond3A_74 : i32
      scf.if %cond3A_75 {
        %add3A_83 = arith.constant 2 : i32
        %add3A_84 = arith.addi %mul3A_56, %add3A_83 : i32
        %mul3A_85 = arith.constant 96 : i32
        %mul3A_86 = arith.muli %add3A_84, %mul3A_85 : i32
        %dma_start3A_87 = tpu.memref_slice %arg6[%mul3A_86] : memref<10080xi32, #tpu.memory_space<vmem>> -> memref<96xi32, #tpu.memory_space<vmem>>
        %dma_start3A_88 = arith.constant 0 : i32
        %dma_start3A_89 = arith.constant 0 : i32
        %dma_start3A_90 = tpu.memref_slice %arg2[%dma_start3A_88, %dma_start3A_89] : memref<10112x128xf32, #tpu.memory_space<hbm>> -> memref<10112x128xf32, #tpu.memory_space<hbm>>
        tpu.enqueue_indirect_dma source(%dma_start3A_90 : memref<10112x128xf32, #tpu.memory_space<hbm>>) target(%arg8 : memref<96x128xf32, #tpu.memory_space<vmem>>) offsets(%dma_start3A_87 : memref<96xi32, #tpu.memory_space<vmem>>) semaphore(%arg11 : memref<!tpu.dma_semaphore, #tpu.memory_space<semaphore_mem>>)
      } else {
      }
      %add3A_76 = arith.constant 1 : i32
      %add3A_77 = arith.addi %mul3A_56, %add3A_76 : i32
      %lt3A_78 = arith.constant 105 : i32
      %lt3A_79 = arith.cmpi slt, %add3A_77, %lt3A_78 : i32
      %convert_element_type3A_80 = arith.extui %lt3A_79 : i1 to i32
      %cond3A_81 = arith.constant 0 : i32
      %cond3A_82 = arith.cmpi ne, %convert_element_type3A_80, %cond3A_81 : i32
      scf.if %cond3A_82 {
        %add3A_83 = arith.constant 1 : i32
        %add3A_84 = arith.addi %mul3A_56, %add3A_83 : i32
        %mul3A_85 = arith.constant 96 : i32
        %mul3A_86 = arith.muli %add3A_84, %mul3A_85 : i32
        %dma_wait3A_87 = tpu.memref_slice %arg6[%mul3A_86] : memref<10080xi32, #tpu.memory_space<vmem>> -> memref<96xi32, #tpu.memory_space<vmem>>
        %dma_wait3A_88 = arith.constant 0 : i32
        %dma_wait3A_89 = arith.constant 0 : i32
        %dma_wait3A_90 = tpu.memref_slice %arg2[%dma_wait3A_88, %dma_wait3A_89] : memref<10112x128xf32, #tpu.memory_space<hbm>> -> memref<10112x128xf32, #tpu.memory_space<hbm>>
        tpu.wait_indirect_dma semaphore(%arg12 : memref<!tpu.dma_semaphore, #tpu.memory_space<semaphore_mem>>) src(%dma_wait3A_90 : memref<10112x128xf32, #tpu.memory_space<hbm>>) dst(%arg9 : memref<96x128xf32, #tpu.memory_space<vmem>>)
        %add3A_91 = arith.constant 1 : i32
        %add3A_92 = arith.addi %mul3A_56, %add3A_91 : i32
        "tpu.region"() ({
          %run_scoped3A_93 = tpu.sem_alloc : memref<!tpu.dma_semaphore, #tpu.memory_space<semaphore_mem>>
          %dma_start3A_94 = arith.constant 0 : i32
          %dma_start3A_95 = tpu.memref_slice %arg7[%add3A_92, %dma_start3A_94] : memref<105x96xi32, #tpu.memory_space<vmem>> -> memref<1x96xi32, #tpu.memory_space<vmem>>
          %dma_start3A_96 = tpu.memref_squeeze %dma_start3A_95 : memref<1x96xi32, #tpu.memory_space<vmem>> -> memref<96xi32, #tpu.memory_space<vmem>>
          %dma_start3A_97 = arith.constant 0 : i32
          %dma_start3A_98 = arith.constant 0 : i32
          %dma_start3A_99 = tpu.memref_slice %arg10[%dma_start3A_97, %dma_start3A_98] : memref<10112x128xf32, #tpu.memory_space<vmem_shared>> -> memref<10112x128xf32, #tpu.memory_space<vmem_shared>>
          tpu.enqueue_indirect_dma source(%arg9 : memref<96x128xf32, #tpu.memory_space<vmem>>) target(%dma_start3A_99 : memref<10112x128xf32, #tpu.memory_space<vmem_shared>>) offsets(%dma_start3A_96 : memref<96xi32, #tpu.memory_space<vmem>>) semaphore(%run_scoped3A_93 : memref<!tpu.dma_semaphore, #tpu.memory_space<semaphore_mem>>) {add = true}
          %dma_wait3A_100 = arith.constant 0 : i32
          %dma_wait3A_101 = tpu.memref_slice %arg7[%add3A_92, %dma_wait3A_100] : memref<105x96xi32, #tpu.memory_space<vmem>> -> memref<1x96xi32, #tpu.memory_space<vmem>>
          %dma_wait3A_102 = tpu.memref_squeeze %dma_wait3A_101 : memref<1x96xi32, #tpu.memory_space<vmem>> -> memref<96xi32, #tpu.memory_space<vmem>>
          %dma_wait3A_103 = arith.constant 0 : i32
          %dma_wait3A_104 = arith.constant 0 : i32
          %dma_wait3A_105 = tpu.memref_slice %arg10[%dma_wait3A_103, %dma_wait3A_104] : memref<10112x128xf32, #tpu.memory_space<vmem_shared>> -> memref<10112x128xf32, #tpu.memory_space<vmem_shared>>
          tpu.wait_indirect_dma semaphore(%run_scoped3A_93 : memref<!tpu.dma_semaphore, #tpu.memory_space<semaphore_mem>>) src(%arg9 : memref<96x128xf32, #tpu.memory_space<vmem>>) dst(%dma_wait3A_105 : memref<10112x128xf32, #tpu.memory_space<vmem_shared>>)
          tpu.yield
        }) : () -> ()
      } else {
      }
    }
    %scan3A_43 = arith.constant 52 : i32
    %dma_wait3A_44 = arith.constant 9984 : i32
    %dma_wait3A_45 = tpu.memref_slice %arg6[%dma_wait3A_44] : memref<10080xi32, #tpu.memory_space<vmem>> -> memref<96xi32, #tpu.memory_space<vmem>>
    %dma_wait3A_46 = arith.constant 0 : i32
    %dma_wait3A_47 = arith.constant 0 : i32
    %dma_wait3A_48 = tpu.memref_slice %arg2[%dma_wait3A_46, %dma_wait3A_47] : memref<10112x128xf32, #tpu.memory_space<hbm>> -> memref<10112x128xf32, #tpu.memory_space<hbm>>
    tpu.wait_indirect_dma semaphore(%arg11 : memref<!tpu.dma_semaphore, #tpu.memory_space<semaphore_mem>>) src(%dma_wait3A_48 : memref<10112x128xf32, #tpu.memory_space<hbm>>) dst(%arg8 : memref<96x128xf32, #tpu.memory_space<vmem>>)
    %run_scoped3A = arith.constant 104 : i32
    "tpu.region"() ({
      %run_scoped3A_50 = tpu.sem_alloc : memref<!tpu.dma_semaphore, #tpu.memory_space<semaphore_mem>>
      %dma_start3A_51 = arith.constant 0 : i32
      %dma_start3A_52 = tpu.memref_slice %arg7[%run_scoped3A, %dma_start3A_51] : memref<105x96xi32, #tpu.memory_space<vmem>> -> memref<1x96xi32, #tpu.memory_space<vmem>>
      %dma_start3A_53 = tpu.memref_squeeze %dma_start3A_52 : memref<1x96xi32, #tpu.memory_space<vmem>> -> memref<96xi32, #tpu.memory_space<vmem>>
      %dma_start3A_54 = arith.constant 0 : i32
      %dma_start3A_55 = arith.constant 0 : i32
      %dma_start3A_56 = tpu.memref_slice %arg10[%dma_start3A_54, %dma_start3A_55] : memref<10112x128xf32, #tpu.memory_space<vmem_shared>> -> memref<10112x128xf32, #tpu.memory_space<vmem_shared>>
      tpu.enqueue_indirect_dma source(%arg8 : memref<96x128xf32, #tpu.memory_space<vmem>>) target(%dma_start3A_56 : memref<10112x128xf32, #tpu.memory_space<vmem_shared>>) offsets(%dma_start3A_53 : memref<96xi32, #tpu.memory_space<vmem>>) semaphore(%run_scoped3A_50 : memref<!tpu.dma_semaphore, #tpu.memory_space<semaphore_mem>>) {add = true}
      %dma_wait3A_57 = arith.constant 0 : i32
      %dma_wait3A_58 = tpu.memref_slice %arg7[%run_scoped3A, %dma_wait3A_57] : memref<105x96xi32, #tpu.memory_space<vmem>> -> memref<1x96xi32, #tpu.memory_space<vmem>>
      %dma_wait3A_59 = tpu.memref_squeeze %dma_wait3A_58 : memref<1x96xi32, #tpu.memory_space<vmem>> -> memref<96xi32, #tpu.memory_space<vmem>>
      %dma_wait3A_60 = arith.constant 0 : i32
      %dma_wait3A_61 = arith.constant 0 : i32
      %dma_wait3A_62 = tpu.memref_slice %arg10[%dma_wait3A_60, %dma_wait3A_61] : memref<10112x128xf32, #tpu.memory_space<vmem_shared>> -> memref<10112x128xf32, #tpu.memory_space<vmem_shared>>
      tpu.wait_indirect_dma semaphore(%run_scoped3A_50 : memref<!tpu.dma_semaphore, #tpu.memory_space<semaphore_mem>>) src(%arg8 : memref<96x128xf32, #tpu.memory_space<vmem>>) dst(%dma_wait3A_62 : memref<10112x128xf32, #tpu.memory_space<vmem_shared>>)
      tpu.yield
    }) : () -> ()
    %barrier3A_49 = arith.constant 0 : index
    tpu.barrier barrier_id(%barrier3A_49)
    "tpu.region"() ({
      %run_scoped3A_50 = tpu.sem_alloc : memref<!tpu.dma_semaphore, #tpu.memory_space<semaphore_mem>>
      %dma_start3A_51 = arith.constant 0 : i32
      %dma_start3A_52 = tpu.memref_slice %arg5[%arg0, %mul3A_15, %dma_start3A_51] : memref<2x10112x128xf32, #tpu.memory_space<hbm>> -> memref<1x632x128xf32, #tpu.memory_space<hbm>>
      %dma_start3A_53 = tpu.memref_squeeze %dma_start3A_52 : memref<1x632x128xf32, #tpu.memory_space<hbm>> -> memref<632x128xf32, #tpu.memory_space<hbm>>
      %dma_start3A_54 = arith.constant 0 : i32
      %dma_start3A_55 = tpu.memref_slice %arg10[%mul3A_15, %dma_start3A_54] : memref<10112x128xf32, #tpu.memory_space<vmem_shared>> -> memref<632x128xf32, #tpu.memory_space<vmem_shared>>
      tpu.enqueue_dma source(%dma_start3A_55 : memref<632x128xf32, #tpu.memory_space<vmem_shared>>) target(%dma_start3A_53 : memref<632x128xf32, #tpu.memory_space<hbm>>) target_semaphore(%run_scoped3A_50 : memref<!tpu.dma_semaphore, #tpu.memory_space<semaphore_mem>>)
      %dma_wait3A_56 = arith.constant 0 : i32
      %dma_wait3A_57 = tpu.memref_slice %arg5[%arg0, %mul3A_15, %dma_wait3A_56] : memref<2x10112x128xf32, #tpu.memory_space<hbm>> -> memref<1x632x128xf32, #tpu.memory_space<hbm>>
      %dma_wait3A_58 = tpu.memref_squeeze %dma_wait3A_57 : memref<1x632x128xf32, #tpu.memory_space<hbm>> -> memref<632x128xf32, #tpu.memory_space<hbm>>
      %dma_wait3A_59 = arith.constant 0 : i32
      %dma_wait3A_60 = tpu.memref_slice %arg10[%mul3A_15, %dma_wait3A_59] : memref<10112x128xf32, #tpu.memory_space<vmem_shared>> -> memref<632x128xf32, #tpu.memory_space<vmem_shared>>
      tpu.wait_dma2 semaphore(%run_scoped3A_50 : memref<!tpu.dma_semaphore, #tpu.memory_space<semaphore_mem>>) src(%dma_wait3A_60 : memref<632x128xf32, #tpu.memory_space<vmem_shared>>) dst(%dma_wait3A_58 : memref<632x128xf32, #tpu.memory_space<hbm>>)
      tpu.yield
    }) : () -> ()
    return
  }
}

module attributes {stable_mosaic.version = 14 : i64} {
  func.func @_mm_body(%arg0: i32, %arg1: memref<512x128xf32, #tpu.memory_space<vmem>>, %arg2: memref<128x128xf32, #tpu.memory_space<vmem>>, %arg3: memref<2x512xf32, #tpu.memory_space<vmem>>, %arg4: memref<512x128xf32, #tpu.memory_space<vmem>>) attributes {dimension_semantics = [#tpu.dimension_semantics<arbitrary>], iteration_bounds = array<i64: 20>, scalar_prefetch = 0 : i64, scratch_operands = 0 : i64, tpu.core_type = #tpu.core_type<tc>, window_params = [{transform_indices = @transform_0, window_bounds = array<i64: 512, 128>}, {pipeline_mode = #tpu.pipeline_mode<synchronous>, transform_indices = @transform_1, window_bounds = array<i64: 128, 128>}, {transform_indices = @transform_2, window_bounds = array<i64: 2, 512>}, {transform_indices = @transform_3, window_bounds = array<i64: 512, 128>}]} {
    %get3A = arith.constant 0 : index
    %get3A_0 = arith.constant 0 : index
    %get3A_1 = vector.load %arg3[%get3A, %get3A_0] : memref<2x512xf32, #tpu.memory_space<vmem>>, vector<2x512xf32>
    %reduce_sum3A = arith.constant dense<0.000000e+00> : vector<512xf32>
    %reduce_sum3A_2 = vector.multi_reduction <add>, %get3A_1, %reduce_sum3A [0] : vector<2x512xf32> to vector<512xf32>
    %add3A = arith.constant 1.000000e+00 : f32
    %add3A_3 = vector.broadcast %add3A : f32 to vector<512xf32>
    %add3A_4 = arith.addf %reduce_sum3A_2, %add3A_3 : vector<512xf32>
    %rsqrt3A = math.rsqrt %add3A_4 : vector<512xf32>
    %get3A_5 = arith.constant 0 : index
    %get3A_6 = arith.constant 0 : index
    %get3A_7 = vector.load %arg1[%get3A_5, %get3A_6] : memref<512x128xf32, #tpu.memory_space<vmem>>, vector<512x128xf32>
    %get3A_8 = arith.constant 0 : index
    %get3A_9 = arith.constant 0 : index
    %get3A_10 = vector.load %arg2[%get3A_8, %get3A_9] : memref<128x128xf32, #tpu.memory_space<vmem>>, vector<128x128xf32>
    %dot_general3A = arith.constant dense<0.000000e+00> : vector<512x128xf32>
    %dot_general3A_11 = tpu.matmul %get3A_7, %get3A_10, %dot_general3A {dimension_numbers = #tpu.dot_dimension_numbers<[1], [0], [0], [1], [0, 0, 1, 1], [], []>, transpose_lhs_hint = false} : vector<512x128xf32>, vector<128x128xf32>, vector<512x128xf32> -> vector<512x128xf32>
    %broadcast_in_dim3A = vector.shape_cast %rsqrt3A : vector<512xf32> to vector<512x1xf32>
    %mul3A = vector.broadcast %broadcast_in_dim3A : vector<512x1xf32> to vector<512x128xf32>
    %mul3A_12 = arith.mulf %dot_general3A_11, %mul3A : vector<512x128xf32>
    %swap3A = arith.constant 0 : index
    %swap3A_13 = arith.constant 0 : index
    %swap3A_14 = vector.load %arg4[%swap3A, %swap3A_13] : memref<512x128xf32, #tpu.memory_space<vmem>>, vector<512x128xf32>
    tpu.vector_store %arg4[%swap3A, %swap3A_13], %mul3A_12 {strides = array<i32>} : memref<512x128xf32, #tpu.memory_space<vmem>>, vector<512x128xf32>,
    return
  }
  func.func @transform_0(%arg0: i32) -> (i32, i32) {
    %c0_i32 = arith.constant 0 : i32
    %c0_i32_0 = arith.constant 0 : i32
    return %arg0, %c0_i32 : i32, i32
  }
  func.func @transform_1(%arg0: i32) -> (i32, i32) {
    %c0_i32 = arith.constant 0 : i32
    %c0_i32_0 = arith.constant 0 : i32
    %c0_i32_1 = arith.constant 0 : i32
    return %c0_i32, %c0_i32_0 : i32, i32
  }
  func.func @transform_2(%arg0: i32) -> (i32, i32) {
    %c0_i32 = arith.constant 0 : i32
    %c0_i32_0 = arith.constant 0 : i32
    return %c0_i32, %arg0 : i32, i32
  }
  func.func @transform_3(%arg0: i32) -> (i32, i32) {
    %c0_i32 = arith.constant 0 : i32
    %c0_i32_0 = arith.constant 0 : i32
    return %arg0, %c0_i32 : i32, i32
  }
}

module attributes {stable_mosaic.version = 14 : i64} {
  func.func @_tcb_body(%arg0: i32, %arg1: memref<2x512x128xf32, #tpu.memory_space<vmem>>, %arg2: memref<2x512xf32, #tpu.memory_space<vmem>>, %arg3: memref<1x128xf32, #tpu.memory_space<vmem>>, %arg4: memref<512x128xf32, #tpu.memory_space<vmem>>) attributes {dimension_semantics = [#tpu.dimension_semantics<arbitrary>], iteration_bounds = array<i64: 20>, scalar_prefetch = 0 : i64, scratch_operands = 0 : i64, tpu.core_type = #tpu.core_type<tc>, window_params = [{transform_indices = @transform_0, window_bounds = array<i64: 2, 512, 128>}, {transform_indices = @transform_1, window_bounds = array<i64: 2, 512>}, {pipeline_mode = #tpu.pipeline_mode<synchronous>, transform_indices = @transform_2, window_bounds = array<i64: 1, 128>}, {transform_indices = @transform_3, window_bounds = array<i64: 512, 128>}]} {
    %get3A = arith.constant 0 : index
    %get3A_0 = arith.constant 0 : index
    %get3A_1 = vector.load %arg2[%get3A, %get3A_0] : memref<2x512xf32, #tpu.memory_space<vmem>>, vector<2x512xf32>
    %reduce_sum3A = arith.constant dense<0.000000e+00> : vector<512xf32>
    %reduce_sum3A_2 = vector.multi_reduction <add>, %get3A_1, %reduce_sum3A [0] : vector<2x512xf32> to vector<512xf32>
    %add3A = arith.constant 1.000000e+00 : f32
    %add3A_3 = vector.broadcast %add3A : f32 to vector<512xf32>
    %add3A_4 = arith.addf %reduce_sum3A_2, %add3A_3 : vector<512xf32>
    %rsqrt3A = math.rsqrt %add3A_4 : vector<512xf32>
    %get3A_5 = arith.constant 0 : index
    %get3A_6 = arith.constant 0 : index
    %get3A_7 = arith.constant 0 : index
    %get3A_8 = vector.load %arg1[%get3A_5, %get3A_6, %get3A_7] : memref<2x512x128xf32, #tpu.memory_space<vmem>>, vector<1x512x128xf32>
    %get3A_9 = vector.shape_cast %get3A_8 : vector<1x512x128xf32> to vector<512x128xf32>
    %get3A_10 = arith.constant 1 : index
    %get3A_11 = arith.constant 0 : index
    %get3A_12 = arith.constant 0 : index
    %get3A_13 = vector.load %arg1[%get3A_10, %get3A_11, %get3A_12] : memref<2x512x128xf32, #tpu.memory_space<vmem>>, vector<1x512x128xf32>
    %get3A_14 = vector.shape_cast %get3A_13 : vector<1x512x128xf32> to vector<512x128xf32>
    %add3A_15 = arith.addf %get3A_9, %get3A_14 : vector<512x128xf32>
    %broadcast_in_dim3A = vector.shape_cast %rsqrt3A : vector<512xf32> to vector<512x1xf32>
    %mul3A = vector.broadcast %broadcast_in_dim3A : vector<512x1xf32> to vector<512x128xf32>
    %mul3A_16 = arith.mulf %add3A_15, %mul3A : vector<512x128xf32>
    %get3A_17 = arith.constant 0 : index
    %get3A_18 = arith.constant 0 : index
    %get3A_19 = vector.load %arg3[%get3A_17, %get3A_18] : memref<1x128xf32, #tpu.memory_space<vmem>>, vector<1x128xf32>
    %add3A_20 = vector.broadcast %get3A_19 : vector<1x128xf32> to vector<512x128xf32>
    %add3A_21 = arith.addf %mul3A_16, %add3A_20 : vector<512x128xf32>
    %reduce_max3A = arith.constant dense<0xFF800000> : vector<512xf32>
    %reduce_max3A_22 = vector.multi_reduction <maximumf>, %add3A_21, %reduce_max3A [1] : vector<512x128xf32> to vector<512xf32>
    %broadcast_in_dim3A_23 = vector.shape_cast %reduce_max3A_22 : vector<512xf32> to vector<512x1xf32>
    %sub3A = vector.broadcast %broadcast_in_dim3A_23 : vector<512x1xf32> to vector<512x128xf32>
    %sub3A_24 = arith.subf %add3A_21, %sub3A : vector<512x128xf32>
    %exp3A = math.exp %sub3A_24 : vector<512x128xf32>
    %sub3A_25 = vector.broadcast %broadcast_in_dim3A_23 : vector<512x1xf32> to vector<512x128xf32>
    %sub3A_26 = arith.subf %add3A_21, %sub3A_25 : vector<512x128xf32>
    %reduce_sum3A_27 = arith.constant dense<0.000000e+00> : vector<512xf32>
    %reduce_sum3A_28 = vector.multi_reduction <add>, %exp3A, %reduce_sum3A_27 [1] : vector<512x128xf32> to vector<512xf32>
    %broadcast_in_dim3A_29 = vector.shape_cast %reduce_sum3A_28 : vector<512xf32> to vector<512x1xf32>
    %log3A = math.log %broadcast_in_dim3A_29 : vector<512x1xf32>
    %sub3A_30 = vector.broadcast %log3A : vector<512x1xf32> to vector<512x128xf32>
    %sub3A_31 = arith.subf %sub3A_26, %sub3A_30 : vector<512x128xf32>
    %swap3A = arith.constant 0 : index
    %swap3A_32 = arith.constant 0 : index
    %swap3A_33 = vector.load %arg4[%swap3A, %swap3A_32] : memref<512x128xf32, #tpu.memory_space<vmem>>, vector<512x128xf32>
    tpu.vector_store %arg4[%swap3A, %swap3A_32], %sub3A_31 {strides = array<i32>} : memref<512x128xf32, #tpu.memory_space<vmem>>, vector<512x128xf32>,
    return
  }
  func.func @transform_0(%arg0: i32) -> (i32, i32, i32) {
    %c0_i32 = arith.constant 0 : i32
    %c0_i32_0 = arith.constant 0 : i32
    %c0_i32_1 = arith.constant 0 : i32
    return %c0_i32, %arg0, %c0_i32_0 : i32, i32, i32
  }
  func.func @transform_1(%arg0: i32) -> (i32, i32) {
    %c0_i32 = arith.constant 0 : i32
    %c0_i32_0 = arith.constant 0 : i32
    return %c0_i32, %arg0 : i32, i32
  }
  func.func @transform_2(%arg0: i32) -> (i32, i32) {
    %c0_i32 = arith.constant 0 : i32
    %c0_i32_0 = arith.constant 0 : i32
    %c0_i32_1 = arith.constant 0 : i32
    return %c0_i32, %c0_i32_0 : i32, i32
  }
  func.func @transform_3(%arg0: i32) -> (i32, i32) {
    %c0_i32 = arith.constant 0 : i32
    %c0_i32_0 = arith.constant 0 : i32
    return %arg0, %c0_i32 : i32, i32
  }
}

</mosaic_0001>

<sc_bundles>
// kernel: kernel.6.cloned.1.call-start
scs
__scs_entry_jumppad:
0x0: {  	(pc) =	sbr.rel $0x88, $3  }
0x1: {  	(tag) =	ssettag $0x0;
	lr =	simm.s32 $0x1  }
0x2: {  	[smem:$0x3F9D] =	sst lr;
	_ =	strace $0xD0000000  }
0x3: {  	_ = 	snop  }
0x4: {  	_ = 	snop  }
0x5: {  	_ = 	snop  }
0x6: {  	_ = 	snop  }
0x7: {  	_ = 	snop  }
__scs_overlays_trampoline_lowered:
0x8: {  	[smem:$0x3FAC] =	sst s0  }
0x9: {  	[smem:$0x3FAD] =	sst s1  }
0xa: {  	[smem:$0x3FAE] =	sst s2  }
0xb: {  	[smem:$0x3FAF] =	sst s3  }
0xc: {  	[smem:$0x3FB0] =	sst s4  }
0xd: {  	[smem:$0x3FB1] =	sst s5  }
0xe: {  	[smem:$0x3FB2] =	sst s6  }
0xf: {  	[smem:$0x3FB3] =	sst s7  }
0x10: {  	[smem:$0x3FB4] =	sst s8  }
0x11: {  	[smem:$0x3FB5] =	sst s9;
	s0 =	simm.s32 @!p0 $0x0  }
0x12: {  	s1 =	sld [smem:$0x3F9B];
	s0 =	simm.s32 @p0 $0x1  }
0x13: {  	[smem:$0x3FB6] =	sst s0;
	s0 =	simm.s32 @!p1 $0x0  }
0x14: {  	s2 =	sld [smem:$0x3F9A];
	s0 =	simm.s32 @p1 $0x1  }
0x15: {  	[smem:$0x3FB7] =	sst s0;
	s0 =	simm.s32 @!p2 $0x0  }
0x16: {  	s3 =	sld [smem:$0x3FDB];
	s0 =	simm.s32 @p2 $0x1  }
0x17: {  	s4 =	simm.s32 $0x1BF5;
	[smem:$0x3FB9] =	sst s0  }
0x18: {  	s0 =	sld [smem:$0x3F9C];
	_ =	swait.ge [sflag:s4], $0x0  }
0x19: {  	s7 =	sld [smem:$0x3F9D]  }
0x1a: {  	s8 =	sadd.s32 $0xFFFFE003, lr  }
0x1b: {  	s9 =	sadd.s32 $0xFFFFFEF7, lr;
	s5 =	simm.s32 $0xFFFFFFFF;
	p2 =	slt.u32 s8, $0xFFFFF086  }
0x1c: {  	p1 =	slt.u32 s9, $0xF7A;
	s5 =	simm.s32 @!p2 $0x0  }
0x1d: {  	s5 =	simm.s32 @p1 $0x1;
	p0 =	seq.s32 s7, s2  }
0x1e: {  	s7 =	smul.u32 @!p0 $0xF7A, s2;
	p2 =	seq.s32 @!p0 s5, $0x0  }
0x1f: {  	s9 =	smul.u32 $0xF7A, s1;
	s8 =	simm.s32 @!p0 $0x1BF5;
	p2 =	por !p2, p0  }
0x20: {  	[sflag:s8] =	ssyncset.s32 @!p0 $0xFFFFF086;
	s6 =	sadd.s32 @!p0 s3, s7;
	s7 =	simm.s32 @!p0 $0x108  }
0x21: {  	s3 =	sadd.s32 s3, s9;
	s6 =	sadd.s32 @!p0 $0x88, s6;
	s7 =	simm.s32 @p2 $0x1082  }
0x22: {  	[simem:s7], [sflag:s8] =	dma.local @!p0 [hbm:s6], $0xF7A  }
0x23: {  	s9 =	sor.u32 $0xD0000000, s2;
	s6 =	simm.s32 $0x108;
	_ =	swait.ge @!p0 [sflag:s8], $0x0  }
0x24: {  	s3 =	sadd.s32 $0x88, s3;
	s6 =	simm.s32 @!p1 $0x1082;
	[sflag:s4] =	ssyncset.s32 $0xFFFFF086  }
0x25: {  	[simem:s6], [sflag:s4] =	dma.local [hbm:s3], $0xF7A  }
0x26: {  	[smem:$0x3F9D] =	sst s1;
	(tag) =	ssettag s2;
	_ =	strace s9  }
0x27: {  	s1 =	sld [smem:$0x3FAD]  }
0x28: {  	s2 =	sld [smem:$0x3FAE]  }
0x29: {  	s4 =	sld [smem:$0x3FB0]  }
0x2a: {  	p0 =	seq.s32 s5, $0x0;
	s5 =	sld [smem:$0x3FB1]  }
0x2b: {  	s6 =	sld [smem:$0x3FB2]  }
0x2c: {  	s7 =	sld [smem:$0x3FB3]  }
0x2d: {  	s3 =	simm.s32 $0x108;
	s8 =	sld [smem:$0x3FB4]  }
0x2e: {  	s3 =	simm.s32 @!p0 $0x1082;
	s9 =	sld [smem:$0x3FB5]  }
0x2f: {  	lr =	sadd.s32 s0, s3;
	s0 =	sld [smem:$0x3FAC]  }
0x30: {  	s3 =	sld [smem:$0x3FAF]  }
0x31: {  	[smem:$0x3FB8] =	sst s10  }
0x32: {  	s10 =	sld [smem:$0x3FB6];
	_ =	sdelay $0x3  }
0x33: {  	p0 =	seq.s32 s10, $0x1;
	s10 =	sld [smem:$0x3FB8];
	_ =	sdelay $0x3  }
0x34: {  	[smem:$0x3FB8] =	sst s10  }
0x35: {  	s10 =	sld [smem:$0x3FB7];
	_ =	sdelay $0x3  }
0x36: {  	p1 =	seq.s32 s10, $0x1;
	s10 =	sld [smem:$0x3FB8];
	_ =	sdelay $0x3  }
0x37: {  	[smem:$0x3FB8] =	sst s10  }
0x38: {  	s10 =	sld [smem:$0x3FB9]  }
0x39: {  	_ = 	snop;
	(pc) =	sbr.ind lr, $3  }
0x3a: {  	_ = 	snop  }
0x3b: {  	_ = 	snop  }
0x3c: {  	p2 =	seq.s32 s10, $0x1;
	s10 =	sld [smem:$0x3FB8]  }
0x3d: {  	_ =	shalt  }
0x3e: {  	_ =	shalt  }
0x3f: {  	_ =	shalt  }
0x40: {  	_ =	shalt  }
0x41: {  	_ =	shalt  }
0x42: {  	_ =	shalt  }
0x43: {  	_ =	shalt  }
0x44: {  	_ =	shalt  }
0x45: {  	_ =	shalt  }
0x46: {  	_ =	shalt  }
0x47: {  	_ =	shalt  }
0x48: {  	_ =	shalt  }
0x49: {  	_ =	shalt  }
0x4a: {  	_ =	shalt  }
0x4b: {  	_ =	shalt  }
0x4c: {  	_ =	shalt  }
0x4d: {  	_ =	shalt  }
0x4e: {  	_ =	shalt  }
0x4f: {  	_ =	shalt  }
0x50: {  	_ =	shalt  }
0x51: {  	_ =	shalt  }
0x52: {  	_ =	shalt  }
0x53: {  	_ =	shalt  }
0x54: {  	_ =	shalt  }
0x55: {  	_ =	shalt  }
0x56: {  	_ =	shalt  }
0x57: {  	_ =	shalt  }
0x58: {  	_ =	shalt  }
0x59: {  	_ =	shalt  }
0x5a: {  	_ =	shalt  }
0x5b: {  	_ =	shalt  }
0x5c: {  	_ =	shalt  }
0x5d: {  	_ =	shalt  }
0x5e: {  	_ =	shalt  }
0x5f: {  	_ =	shalt  }
0x60: {  	_ =	shalt  }
0x61: {  	_ =	shalt  }
0x62: {  	_ =	shalt  }
0x63: {  	_ =	shalt  }
0x64: {  	_ =	shalt  }
0x65: {  	_ =	shalt  }
0x66: {  	_ =	shalt  }
0x67: {  	_ =	shalt  }
0x68: {  	_ =	shalt  }
0x69: {  	_ =	shalt  }
0x6a: {  	_ =	shalt  }
0x6b: {  	_ =	shalt  }
0x6c: {  	_ =	shalt  }
0x6d: {  	_ =	shalt  }
0x6e: {  	_ =	shalt  }
0x6f: {  	_ =	shalt  }
0x70: {  	_ =	shalt  }
0x71: {  	_ =	shalt  }
0x72: {  	_ =	shalt  }
0x73: {  	_ =	shalt  }
0x74: {  	_ =	shalt  }
0x75: {  	_ =	shalt  }
0x76: {  	_ =	shalt  }
0x77: {  	_ =	shalt  }
0x78: {  	_ =	shalt  }
0x79: {  	_ =	shalt  }
0x7a: {  	_ =	shalt  }
0x7b: {  	_ =	shalt  }
0x7c: {  	_ =	shalt  }
0x7d: {  	_ =	shalt  }
0x7e: {  	_ =	shalt  }
0x7f: {  	_ =	shalt  }
0x80: {  	_ =	shalt  }
0x81: {  	_ =	shalt  }
0x82: {  	_ =	shalt  }
0x83: {  	_ =	shalt  }
0x84: {  	_ =	shalt  }
0x85: {  	_ =	shalt  }
0x86: {  	_ =	shalt  }
0x87: {  	_ =	shalt  }
.Lfunc_end0:
.L_simem_size_0:
called_computation_lowered:
.L_overlay_start_0:
0x88: {  	s2 =	sld [smem:$0x3FD9]  }
0x89: {  	s3 =	sld [smem:$0x3FFE];
	_ =	sdelay $0x1  }
0x8a: {  	s1 =	srdreg.scid  }
0x8b: {  	s0 =	sand.u32 $0x1, s1  }
0x8c: {  	s17 =	sshll.u32 s0, $0xA;
	s2 =	sadd.s32 s3, s2  }
0x8d: {  	s2 =	sadd.s32 s2, s17  }
0x8e: {  	[smem:$0x3FC4] =	sst s2  }
0x8f: {  	_ = 	snop  }
0x90: {  	s2 =	sld [smem:$0x3FD0];
	(tm) =	ssettm $0x1  }
0x91: {  	s18 =	sld [smem:$0x3FFB];
	_ =	sdelay $0x3  }
0x92: {  	_ =	strace s18  }
0x93: {  	s3 =	sld [smem:$0x3FFC];
	_ =	sdelay $0x3  }
0x94: {  	_ =	strace s3  }
0x95: {  	s3 =	sld [smem:$0x3FFD];
	_ =	sdelay $0x3  }
0x96: {  	_ =	strace s3  }
0x97: {  	_ =	strace $0x8FFFFFFF  }
0x98: {  	s19 =	sld [smem:$0x3FDB];
	_ =	sdelay $0x1  }
0x99: {  	s4 =	simm.s32 $_scs_section_size  }
0x9a: {  	s5 =	simm.s32 $_size__tile_overlayer_lowered;
	s6 =	simm.s32 $_tile_overlayer_lowered  }
0x9b: {  	s22 =	simm.s32 $0x1BFF;
	s21 =	sshll.u32 s6, $0x1;
	s3 =	sadd.s32 s4, s19  }
0x9c: {  	s7 =	simm.s32 $0x0;
	s20 =	sshll.u32 s5, $0x1;
	s5 =	sadd.s32 s21, s3  }
0x9d: {  	[timem:s7], [sflag:s22] =	dma.local [hbm:s5], s20  }
0x9e: {  	_ =	swait.ge [sflag:s22], s20  }
0x9f: {  	s4 =	ssub.s32 $0x0, s20;
	[sflag:s22] =	ssyncset.done $0x0  }
0xa0: {  	[sflag:s22] =	ssyncadd.s32 s4;
	_ =	sdelay $0x1  }
0xa1: {  	s23 =	simm.s32 $0x1B8B  }
0xa2: {  	_ =	swait.ge [sflag:s23], $0x1  }
0xa3: {  	[sflag:s23] =	ssyncset.done $0x0  }
0xa4: {  	s25 =	simm.s32 $0x1B8E;
	s24 =	sld [smem:$0x3FFE];
	[sflag:s23] =	ssyncadd.s32 $0xFFFFFFFF  }
0xa5: {  	s26 =	simm.s32 $execute0_lowered;
	[smem:$0x3FD2] =	sst s25  }
0xa6: {  	s5 =	sshll.u32 s26, $0x1;
	_ =	strace $0x80000046;
	[dreg:$0x1] =	wrdreg $0xFFFFFFFF  }
0xa7: {  	s28 =	simm.s32 $_size_execute0_lowered;
	s3 =	sadd.s32 s3, s5;
	[dreg:$0x0] =	wrdreg $0x0  }
0xa8: {  	s5 =	sshll.u32 s28, $0x1;
	[dreg:$0x2] =	wrdreg s3  }
0xa9: {  	[dreg:$0x3] =	wrdreg s5  }
0xaa: {  	[dreg:$0x4] =	wrdreg $0xC0  }
0xab: {  	_ =	task [dreg:s7], $0x5FFFF  }
0xac: {  	[dreg:$0x1] =	wrdreg $0xFFFFFFFF  }
0xad: {  	[dreg:$0x0] =	wrdreg $0x60  }
0xae: {  	[dreg:$0x2] =	wrdreg s2  }
0xaf: {  	[dreg:$0x3] =	wrdreg s24  }
0xb0: {  	[dreg:$0x4] =	wrdreg $0x43000  }
0xb1: {  	[dreg:$0x5] =	wrdreg $0x9  }
0xb2: {  	_ =	task.clear_ibuf [dreg:s7], $0x6FFFF;
	_ =	strace $0x90000046  }
0xb3: {  	s29 =	simm.s32 $0x9;
	_ =	strace $0x80000048  }
0xb4: {  	_ =	swait.ge [sflag:s29], $0x1  }
0xb5: {  	[sflag:s29] =	ssyncadd.s32 $0xFFFFFFFF  }
0xb6: {  	_ =	strace $0x90000048  }
0xb7: {  	_ =	sfence  }
0xb8: {  	s30 =	sld [smem:$0x0];
	_ =	sdelay $0x2  }
0xb9: {  	s31 =	sshll.u32 s1, $0xD;
	s1 =	sshrl.u32 s1, $0x2  }
0xba: {  	s3 =	sand.u32 $0x4000, s31;
	s1 =	sadd.s32 s1, s30  }
0xbb: {  	s0 =	sor.u32 s3, s0;
	s1 =	sshll.u32 s1, $0x11  }
0xbc: {  	s0 =	sor.u32 s1, s0  }
0xbd: {  	s0 =	sadd.s32 $0x8F2B, s0  }
0xbe: {  	[sflag:s0] =	ssyncadd.remote.s32 $0x1  }
0xbf: {  	_ =	sfence.sel $0xFFFF  }
0xc0: {  	[dreg:$0x0] =	wrdreg $0xFFFFFFFF;
	(pc) =	sbr.abs _section_cstart, $3  }
0xc1: {  	[dreg:$0x1] =	wrdreg $0xFFFFFFFF  }
0xc2: {  	_ =	task.clear_ibuf [dreg:s7], $0x2FFFF;
	_ =	strace $0x9FFFFFFF  }
0xc3: {  	(tm) =	ssettm $0x7FFFFFFF  }
tec
execute0_lowered:
.L_overlay_start_1:
0x0: {  	(tag) =	ssettag $0x1  }
0x1: {  	s4 =	rddreg [dreg:$0x0]  }
0x2: {  	s5 =	rddreg [dreg:$0x1]  }
0x3: {  	s2 =	rddreg [dreg:$0x2]  }
0x4: {  	s0 =	rddreg [dreg:$0x3];
	s6 =	srdreg.scid  }
0x5: {  	s1 =	stileid.u32;
	s3 =	simm.s32 $0x0;
	s11 =	simm.s32 $0x50  }
0x6: {  	s12 =	simm.s32 $0x4000;
	s15 =	simm.s32 $0x20;
	s16 =	simm.s32 $0x10  }
0x7: {  	s17 =	simm.s32 $0x0;
	s6 =	sand.u32 $0x1, s6;
	s7 =	smul.u32 $0x500, s1  }
0x8: {  	[smem:$0x7FF] =	sst s3;
	s10 =	smul.u32 $0xA00, s1;
	s30 =	sshll.u32 s1, $0xB  }
0x9: {  	s13 =	sshll.u32 s1, $0x6;
	s8 =	sshll.u32 s6, $0x7;
	_ =	strace $0x80000047  }
0xa: {  	s29 =	ssub.s32 $0x2, s6;
	s6 =	sshll.u32 s6, $0xF;
	s4 =	sadd.s32 s4, s30  }
0xb: {  	s13 =	sor.u32 $0x1C02, s13;
	s7 =	sor.u32 s8, s7;
	s9 =	sshrl.u32 s29, $0x1  }
0xc: {  	s31 =	sshrl.u32 s10, $0x2;
	s4 =	sadd.s32 s6, s4;
	s7 =	sshrl.u32 s7, $0x3  }
0xd: {  	s10 =	simm.s32 $0x1;
	s8 =	ssub.s32 s29, s9;
	s7 =	sadd.s32 s7, s5  }
0xe: {  	s9 =	simm.s32 $0x2;
	s5 =	sadd.s32 s31, s2;
	s6 =	sadd.s32 $0x1400, s7  }
0xf: {  	v0 =	vimm.f32 $1.000000000e+00;
	v1 =	vimm.f32 $0.0e+00;
	s7 =	smax.u32 s8, $0x1;
	s8 =	simm.s32 $0x4080;
	s14 =	sshrl.u32 s5, $0x3  }
.LBB2_1:
0x10: {  	[tilespmem:s3], [sflag:$0x1] =	stream.linear.gather [hbm4b:s4+s3], $0x3E80, $0x38;
	[tilespmem:$0x4580] =	vst v63  }
0x11: {  	[tilespmem:$0x4000] =	vst v0  }
0x12: {  	[tilespmem:$0x4010] =	vst v0  }
0x13: {  	[tilespmem:$0x4020] =	vst v0  }
0x14: {  	[tilespmem:$0x4030] =	vst v0  }
0x15: {  	[tilespmem:$0x4040] =	vst v0  }
0x16: {  	[tilespmem:$0x4080] =	vst v1  }
0x17: {  	[tilespmem:$0x4090] =	vst v1  }
0x18: {  	[tilespmem:$0x40A0] =	vst v1  }
0x19: {  	[tilespmem:$0x40B0] =	vst v1  }
0x1a: {  	[tilespmem:$0x40C0] =	vst v1  }
0x1b: {  	[tilespmem:$0x40D0] =	vst v1  }
0x1c: {  	[tilespmem:$0x40E0] =	vst v1  }
0x1d: {  	[tilespmem:$0x40F0] =	vst v1  }
0x1e: {  	[tilespmem:$0x4100] =	vst v1  }
0x1f: {  	[tilespmem:$0x4110] =	vst v1  }
0x20: {  	[tilespmem:$0x4120] =	vst v1  }
0x21: {  	[tilespmem:$0x4130] =	vst v1  }
0x22: {  	[tilespmem:$0x4140] =	vst v1  }
0x23: {  	[tilespmem:$0x4150] =	vst v1  }
0x24: {  	[tilespmem:$0x4160] =	vst v1  }
0x25: {  	[tilespmem:$0x4170] =	vst v1  }
0x26: {  	[tilespmem:$0x4180] =	vst v1  }
0x27: {  	[tilespmem:$0x4190] =	vst v1  }
0x28: {  	[tilespmem:$0x41A0] =	vst v1  }
0x29: {  	[tilespmem:$0x41B0] =	vst v1  }
0x2a: {  	[tilespmem:$0x41C0] =	vst v1  }
0x2b: {  	[tilespmem:$0x41D0] =	vst v1  }
0x2c: {  	[tilespmem:$0x41E0] =	vst v1  }
0x2d: {  	[tilespmem:$0x41F0] =	vst v1  }
0x2e: {  	[tilespmem:$0x4200] =	vst v1  }
0x2f: {  	[tilespmem:$0x4210] =	vst v1  }
0x30: {  	[tilespmem:$0x4220] =	vst v1  }
0x31: {  	[tilespmem:$0x4230] =	vst v1  }
0x32: {  	[tilespmem:$0x4240] =	vst v1  }
0x33: {  	[tilespmem:$0x4250] =	vst v1  }
0x34: {  	[tilespmem:$0x4260] =	vst v1  }
0x35: {  	[tilespmem:$0x4270] =	vst v1  }
0x36: {  	[tilespmem:$0x4280] =	vst v1  }
0x37: {  	[tilespmem:$0x4290] =	vst v1  }
0x38: {  	[tilespmem:$0x42A0] =	vst v1  }
0x39: {  	[tilespmem:$0x42B0] =	vst v1  }
0x3a: {  	[tilespmem:$0x42C0] =	vst v1  }
0x3b: {  	[tilespmem:$0x42D0] =	vst v1  }
0x3c: {  	[tilespmem:$0x42E0] =	vst v1  }
0x3d: {  	[tilespmem:$0x42F0] =	vst v1  }
0x3e: {  	[spmem:s5] =	stream.linear.scatter [tilespmem:s8], [sflag:$0x2], $0x280, $0x38;
	[tilespmem:$0x4580] =	vst v63  }
0x3f: {  	_ =	swait.ge [sflag:s9], $0x280  }
0x40: {  	[sflag:s9] =	ssyncset.done $0x0  }
0x41: {  	[sflag:s9] =	ssyncadd.s32 $0xFFFFFD80  }
0x42: {  	_ =	swait.ge [sflag:s10], $0x3E80  }
0x43: {  	[sflag:s10] =	ssyncset.done $0x0  }
0x44: {  	[sflag:s10] =	ssyncadd.s32 $0xFFFFC180  }
0x45: {  	s18 =	simm.s32 $0x0;
	[bflag:$0x0] =	sbarrier.arrive $0xFFFF  }
0x46: {  	[spmem:s2] =	stream.indirect.scatter.add.f32 [tilespmem:s12], [sflag:$0x1], $0x1, s18, s11, $0xb8;
	[tilespmem:$0x4580] =	vst v63  }
0x47: {  	s28 =	simm.s32 $0x80  }
0x48: {  	[spmem:s2] =	stream.indirect.scatter.add.f32 [tilespmem:s12], [sflag:$0x1], $0x1, s28, s11, $0xb8;
	[tilespmem:$0x4580] =	vst v63  }
0x49: {  	s29 =	simm.s32 $0x100  }
0x4a: {  	[spmem:s2] =	stream.indirect.scatter.add.f32 [tilespmem:s12], [sflag:$0x1], $0x1, s29, s11, $0xb8;
	[tilespmem:$0x4580] =	vst v63  }
0x4b: {  	s30 =	simm.s32 $0x180  }
0x4c: {  	[spmem:s2] =	stream.indirect.scatter.add.f32 [tilespmem:s12], [sflag:$0x1], $0x1, s30, s11, $0xb8;
	[tilespmem:$0x4580] =	vst v63  }
0x4d: {  	s31 =	simm.s32 $0x200  }
0x4e: {  	[spmem:s2] =	stream.indirect.scatter.add.f32 [tilespmem:s12], [sflag:$0x1], $0x1, s31, s11, $0xb8;
	[tilespmem:$0x4580] =	vst v63  }
0x4f: {  	_ =	swait.ge [sflag:s10], $0x50  }
0x50: {  	[sflag:s10] =	ssyncset.done $0x0  }
0x51: {  	[sflag:s10] =	ssyncadd.s32 $0xFFFFFFB0  }
0x52: {  	_ =	swait.ge [sflag:s10], $0x50  }
0x53: {  	[sflag:s10] =	ssyncset.done $0x0  }
0x54: {  	[sflag:s10] =	ssyncadd.s32 $0xFFFFFFB0  }
0x55: {  	_ =	swait.ge [sflag:s10], $0x50  }
0x56: {  	[sflag:s10] =	ssyncset.done $0x0  }
0x57: {  	[sflag:s10] =	ssyncadd.s32 $0xFFFFFFB0  }
0x58: {  	_ =	swait.ge [sflag:s10], $0x50  }
0x59: {  	[sflag:s10] =	ssyncset.done $0x0  }
0x5a: {  	[sflag:s10] =	ssyncadd.s32 $0xFFFFFFB0  }
0x5b: {  	_ =	swait.ge [sflag:s10], $0x50  }
0x5c: {  	s19 =	simm.s32 $0x1400;
	s18 =	simm.s32 $0xA00;
	[sflag:s10] =	ssyncset.done $0x0  }
.LBB2_2:
0x5d: {  	s20 =	sshra.s32 s18, $0x2  }
0x5e: {  	[sflag:s10] =	ssyncadd.s32 $0xFFFFFFB0;
	s18 =	smov.u32 s19;
	s21 =	sadd.s32 $0xA00, s19  }
0x5f: {  	[spmem:s2] =	stream.indirect.scatter.add.f32 [tilespmem:s12], [sflag:$0x1], $0x1, s20, s11, $0xb8;
	[tilespmem:$0x4580] =	vst v63  }
0x60: {  	p0 =	sne.s32 s19, $0xF000;
	s19 =	sadd.s32 $0x80, s20  }
0x61: {  	[spmem:s2] =	stream.indirect.scatter.add.f32 [tilespmem:s12], [sflag:$0x1], $0x1, s19, s11, $0xb8;
	[tilespmem:$0x4580] =	vst v63  }
0x62: {  	s19 =	sadd.s32 $0x100, s20  }
0x63: {  	[spmem:s2] =	stream.indirect.scatter.add.f32 [tilespmem:s12], [sflag:$0x1], $0x1, s19, s11, $0xb8;
	[tilespmem:$0x4580] =	vst v63  }
0x64: {  	s19 =	sadd.s32 $0x180, s20  }
0x65: {  	[spmem:s2] =	stream.indirect.scatter.add.f32 [tilespmem:s12], [sflag:$0x1], $0x1, s19, s11, $0xb8;
	[tilespmem:$0x4580] =	vst v63  }
0x66: {  	s19 =	sadd.s32 $0x200, s20  }
0x67: {  	[spmem:s2] =	stream.indirect.scatter.add.f32 [tilespmem:s12], [sflag:$0x1], $0x1, s19, s11, $0xb8;
	[tilespmem:$0x4580] =	vst v63  }
0x68: {  	_ =	swait.ge [sflag:s10], $0x50  }
0x69: {  	[sflag:s10] =	ssyncset.done $0x0  }
0x6a: {  	[sflag:s10] =	ssyncadd.s32 $0xFFFFFFB0  }
0x6b: {  	_ =	swait.ge [sflag:s10], $0x50  }
0x6c: {  	[sflag:s10] =	ssyncset.done $0x0  }
0x6d: {  	[sflag:s10] =	ssyncadd.s32 $0xFFFFFFB0  }
0x6e: {  	_ =	swait.ge [sflag:s10], $0x50  }
0x6f: {  	[sflag:s10] =	ssyncset.done $0x0  }
0x70: {  	[sflag:s10] =	ssyncadd.s32 $0xFFFFFFB0  }
.Ltmp0:
0x71: {  	_ =	swait.ge [sflag:s10], $0x50;
	(pc) =	sbr.rel @p0 .LBB2_2-.Ltmp0, $4  }
0x72: {  	[sflag:s10] =	ssyncset.done $0x0  }
0x73: {  	[sflag:s10] =	ssyncadd.s32 $0xFFFFFFB0  }
0x74: {  	_ =	swait.ge [sflag:s10], $0x50  }
0x75: {  	s19 =	smov.u32 s21;
	[sflag:s10] =	ssyncset.done $0x0  }
0x76: {  	s18 =	sshra.s32 s18, $0x2;
	[sflag:s10] =	ssyncadd.s32 $0xFFFFFFB0  }
0x77: {  	[spmem:s2] =	stream.indirect.scatter.add.f32 [tilespmem:s12], [sflag:$0x1], $0x1, s18, s11, $0xb8;
	[tilespmem:$0x4580] =	vst v63  }
0x78: {  	s19 =	sadd.s32 $0x80, s18  }
0x79: {  	[spmem:s2] =	stream.indirect.scatter.add.f32 [tilespmem:s12], [sflag:$0x1], $0x1, s19, s11, $0xb8;
	[tilespmem:$0x4580] =	vst v63  }
0x7a: {  	s30 =	sadd.s32 $0x100, s18  }
0x7b: {  	[spmem:s2] =	stream.indirect.scatter.add.f32 [tilespmem:s12], [sflag:$0x1], $0x1, s30, s11, $0xb8;
	[tilespmem:$0x4580] =	vst v63  }
0x7c: {  	s31 =	sadd.s32 $0x180, s18  }
0x7d: {  	[spmem:s2] =	stream.indirect.scatter.add.f32 [tilespmem:s12], [sflag:$0x1], $0x1, s31, s11, $0xb8;
	[tilespmem:$0x4580] =	vst v63  }
0x7e: {  	s18 =	sadd.s32 $0x200, s18  }
0x7f: {  	[spmem:s2] =	stream.indirect.scatter.add.f32 [tilespmem:s12], [sflag:$0x1], $0x1, s18, s11, $0xb8;
	[tilespmem:$0x4580] =	vst v63  }
0x80: {  	_ =	swait.ge [sflag:s10], $0x50  }
0x81: {  	[sflag:s10] =	ssyncset.done $0x0  }
0x82: {  	[sflag:s10] =	ssyncadd.s32 $0xFFFFFFB0  }
0x83: {  	_ =	swait.ge [sflag:s10], $0x50  }
0x84: {  	[sflag:s10] =	ssyncset.done $0x0  }
0x85: {  	[sflag:s10] =	ssyncadd.s32 $0xFFFFFFB0  }
0x86: {  	_ =	swait.ge [sflag:s10], $0x50  }
0x87: {  	[sflag:s10] =	ssyncset.done $0x0  }
0x88: {  	[sflag:s10] =	ssyncadd.s32 $0xFFFFFFB0  }
0x89: {  	_ =	swait.ge [sflag:s10], $0x50  }
0x8a: {  	[sflag:s10] =	ssyncset.done $0x0  }
0x8b: {  	[sflag:s10] =	ssyncadd.s32 $0xFFFFFFB0  }
0x8c: {  	_ =	swait.ge [sflag:s10], $0x50  }
0x8d: {  	s17 =	sadd.s32 $0x1, s17;
	[sflag:s10] =	ssyncset.done $0x0  }
0x8e: {  	p0 =	sne.s32 s17, s7;
	[sflag:s10] =	ssyncadd.s32 $0xFFFFFFB0  }
.Ltmp1:
0x8f: {  	[bflag:$0x0] =	sbarrier.arrive $0xFFFF;
	(pc) =	sbr.rel @p0 .LBB2_1-.Ltmp1, $4  }
0x90: {  	[hbm:s6@s15], [sflag:s13] =	dma.strided [spmem:s14@s16], $0x50, s10, $0x10   }
0x91: {  	_ =	swait.ge [sflag:s9], $0x50  }
0x92: {  	[sflag:s9] =	ssyncset.done $0x0  }
0x93: {  	[sflag:s9] =	ssyncadd.s32 $0xFFFFFFB0  }
0x94: {  	_ =	sfence.sel $0x180000  }
0x95: {  	[bflag:$0x0] =	sbarrier.arrive $0xFFFF  }
0x96: {  	p0 =	sne.s32 s1, $0x0;
	_ =	strace $0x90000047  }
0x97: {  	s0 =	sadd.s32 @!p0 $0x100000, s0;
	[bflag:$0x2] =	sbarrier.arrive $0xFFFF  }
0x98: {  	[sflag:s0] =	ssyncadd.tile.s32 @!p0 $0x1;
	_ =	shalt  }
.Lfunc_end2:
_tile_overlayer_lowered:
.L_overlay_start_2:
0x99: {  	(tag) =	ssettag $0x2  }
0x9a: {  	s0 =	rddreg [dreg:$0x0];
	s2 =	stileid.u32  }
0x9b: {  	s1 =	rddreg [dreg:$0x1];
	p0 =	sne.s32 s2, $0x0  }
0x9c: {  	s3 =	rddreg [dreg:$0x2];
	[bflag:$0x3] =	sbarrier.arrive $0xFFFF;
	s2 =	simm.s32 @!p0 $0x1C02  }
0x9d: {  	[timem:s3], [sflag:s2] =	dma.local @!p0 [hbm:s0], s1  }
0x9e: {  	s0 =	simm.s32 @!p0 $0x2  }
0x9f: {  	_ =	swait.ge @!p0 [sflag:s0], s1  }
0xa0: {  	s1 =	ssub.s32 @!p0 $0x0, s1;
	[sflag:s0] =	ssyncset.done @!p0 $0x0  }
0xa1: {  	[sflag:s0] =	ssyncadd.s32 @!p0 s1  }
0xa2: {  	[bflag:$0x3] =	sbarrier.arrive $0xFFFF  }
0xa3: {  	_ =	shalt  }

// kernel: kernel.9.cloned.1.call-start
scs
__scs_entry_jumppad:
0x0: {  	(pc) =	sbr.rel $0x88, $3  }
0x1: {  	(tag) =	ssettag $0x0;
	lr =	simm.s32 $0x1  }
0x2: {  	[smem:$0x3F9D] =	sst lr;
	_ =	strace $0xD0000000  }
0x3: {  	_ = 	snop  }
0x4: {  	_ = 	snop  }
0x5: {  	_ = 	snop  }
0x6: {  	_ = 	snop  }
0x7: {  	_ = 	snop  }
__scs_overlays_trampoline_lowered:
0x8: {  	[smem:$0x3FAC] =	sst s0  }
0x9: {  	[smem:$0x3FAD] =	sst s1  }
0xa: {  	[smem:$0x3FAE] =	sst s2  }
0xb: {  	[smem:$0x3FAF] =	sst s3  }
0xc: {  	[smem:$0x3FB0] =	sst s4  }
0xd: {  	[smem:$0x3FB1] =	sst s5  }
0xe: {  	[smem:$0x3FB2] =	sst s6  }
0xf: {  	[smem:$0x3FB3] =	sst s7  }
0x10: {  	[smem:$0x3FB4] =	sst s8  }
0x11: {  	[smem:$0x3FB5] =	sst s9;
	s0 =	simm.s32 @!p0 $0x0  }
0x12: {  	s1 =	sld [smem:$0x3F9B];
	s0 =	simm.s32 @p0 $0x1  }
0x13: {  	[smem:$0x3FB6] =	sst s0;
	s0 =	simm.s32 @!p1 $0x0  }
0x14: {  	s2 =	sld [smem:$0x3F9A];
	s0 =	simm.s32 @p1 $0x1  }
0x15: {  	[smem:$0x3FB7] =	sst s0;
	s0 =	simm.s32 @!p2 $0x0  }
0x16: {  	s3 =	sld [smem:$0x3FDB];
	s0 =	simm.s32 @p2 $0x1  }
0x17: {  	s4 =	simm.s32 $0x1BF5;
	[smem:$0x3FB9] =	sst s0  }
0x18: {  	s0 =	sld [smem:$0x3F9C];
	_ =	swait.ge [sflag:s4], $0x0  }
0x19: {  	s7 =	sld [smem:$0x3F9D]  }
0x1a: {  	s8 =	sadd.s32 $0xFFFFE003, lr  }
0x1b: {  	s9 =	sadd.s32 $0xFFFFFEF7, lr;
	s5 =	simm.s32 $0xFFFFFFFF;
	p2 =	slt.u32 s8, $0xFFFFF086  }
0x1c: {  	p1 =	slt.u32 s9, $0xF7A;
	s5 =	simm.s32 @!p2 $0x0  }
0x1d: {  	s5 =	simm.s32 @p1 $0x1;
	p0 =	seq.s32 s7, s2  }
0x1e: {  	s7 =	smul.u32 @!p0 $0xF7A, s2;
	p2 =	seq.s32 @!p0 s5, $0x0  }
0x1f: {  	s9 =	smul.u32 $0xF7A, s1;
	s8 =	simm.s32 @!p0 $0x1BF5;
	p2 =	por !p2, p0  }
0x20: {  	[sflag:s8] =	ssyncset.s32 @!p0 $0xFFFFF086;
	s6 =	sadd.s32 @!p0 s3, s7;
	s7 =	simm.s32 @!p0 $0x108  }
0x21: {  	s3 =	sadd.s32 s3, s9;
	s6 =	sadd.s32 @!p0 $0x88, s6;
	s7 =	simm.s32 @p2 $0x1082  }
0x22: {  	[simem:s7], [sflag:s8] =	dma.local @!p0 [hbm:s6], $0xF7A  }
0x23: {  	s9 =	sor.u32 $0xD0000000, s2;
	s6 =	simm.s32 $0x108;
	_ =	swait.ge @!p0 [sflag:s8], $0x0  }
0x24: {  	s3 =	sadd.s32 $0x88, s3;
	s6 =	simm.s32 @!p1 $0x1082;
	[sflag:s4] =	ssyncset.s32 $0xFFFFF086  }
0x25: {  	[simem:s6], [sflag:s4] =	dma.local [hbm:s3], $0xF7A  }
0x26: {  	[smem:$0x3F9D] =	sst s1;
	(tag) =	ssettag s2;
	_ =	strace s9  }
0x27: {  	s1 =	sld [smem:$0x3FAD]  }
0x28: {  	s2 =	sld [smem:$0x3FAE]  }
0x29: {  	s4 =	sld [smem:$0x3FB0]  }
0x2a: {  	p0 =	seq.s32 s5, $0x0;
	s5 =	sld [smem:$0x3FB1]  }
0x2b: {  	s6 =	sld [smem:$0x3FB2]  }
0x2c: {  	s7 =	sld [smem:$0x3FB3]  }
0x2d: {  	s3 =	simm.s32 $0x108;
	s8 =	sld [smem:$0x3FB4]  }
0x2e: {  	s3 =	simm.s32 @!p0 $0x1082;
	s9 =	sld [smem:$0x3FB5]  }
0x2f: {  	lr =	sadd.s32 s0, s3;
	s0 =	sld [smem:$0x3FAC]  }
0x30: {  	s3 =	sld [smem:$0x3FAF]  }
0x31: {  	[smem:$0x3FB8] =	sst s10  }
0x32: {  	s10 =	sld [smem:$0x3FB6];
	_ =	sdelay $0x3  }
0x33: {  	p0 =	seq.s32 s10, $0x1;
	s10 =	sld [smem:$0x3FB8];
	_ =	sdelay $0x3  }
0x34: {  	[smem:$0x3FB8] =	sst s10  }
0x35: {  	s10 =	sld [smem:$0x3FB7];
	_ =	sdelay $0x3  }
0x36: {  	p1 =	seq.s32 s10, $0x1;
	s10 =	sld [smem:$0x3FB8];
	_ =	sdelay $0x3  }
0x37: {  	[smem:$0x3FB8] =	sst s10  }
0x38: {  	s10 =	sld [smem:$0x3FB9]  }
0x39: {  	_ = 	snop;
	(pc) =	sbr.ind lr, $3  }
0x3a: {  	_ = 	snop  }
0x3b: {  	_ = 	snop  }
0x3c: {  	p2 =	seq.s32 s10, $0x1;
	s10 =	sld [smem:$0x3FB8]  }
0x3d: {  	_ =	shalt  }
0x3e: {  	_ =	shalt  }
0x3f: {  	_ =	shalt  }
0x40: {  	_ =	shalt  }
0x41: {  	_ =	shalt  }
0x42: {  	_ =	shalt  }
0x43: {  	_ =	shalt  }
0x44: {  	_ =	shalt  }
0x45: {  	_ =	shalt  }
0x46: {  	_ =	shalt  }
0x47: {  	_ =	shalt  }
0x48: {  	_ =	shalt  }
0x49: {  	_ =	shalt  }
0x4a: {  	_ =	shalt  }
0x4b: {  	_ =	shalt  }
0x4c: {  	_ =	shalt  }
0x4d: {  	_ =	shalt  }
0x4e: {  	_ =	shalt  }
0x4f: {  	_ =	shalt  }
0x50: {  	_ =	shalt  }
0x51: {  	_ =	shalt  }
0x52: {  	_ =	shalt  }
0x53: {  	_ =	shalt  }
0x54: {  	_ =	shalt  }
0x55: {  	_ =	shalt  }
0x56: {  	_ =	shalt  }
0x57: {  	_ =	shalt  }
0x58: {  	_ =	shalt  }
0x59: {  	_ =	shalt  }
0x5a: {  	_ =	shalt  }
0x5b: {  	_ =	shalt  }
0x5c: {  	_ =	shalt  }
0x5d: {  	_ =	shalt  }
0x5e: {  	_ =	shalt  }
0x5f: {  	_ =	shalt  }
0x60: {  	_ =	shalt  }
0x61: {  	_ =	shalt  }
0x62: {  	_ =	shalt  }
0x63: {  	_ =	shalt  }
0x64: {  	_ =	shalt  }
0x65: {  	_ =	shalt  }
0x66: {  	_ =	shalt  }
0x67: {  	_ =	shalt  }
0x68: {  	_ =	shalt  }
0x69: {  	_ =	shalt  }
0x6a: {  	_ =	shalt  }
0x6b: {  	_ =	shalt  }
0x6c: {  	_ =	shalt  }
0x6d: {  	_ =	shalt  }
0x6e: {  	_ =	shalt  }
0x6f: {  	_ =	shalt  }
0x70: {  	_ =	shalt  }
0x71: {  	_ =	shalt  }
0x72: {  	_ =	shalt  }
0x73: {  	_ =	shalt  }
0x74: {  	_ =	shalt  }
0x75: {  	_ =	shalt  }
0x76: {  	_ =	shalt  }
0x77: {  	_ =	shalt  }
0x78: {  	_ =	shalt  }
0x79: {  	_ =	shalt  }
0x7a: {  	_ =	shalt  }
0x7b: {  	_ =	shalt  }
0x7c: {  	_ =	shalt  }
0x7d: {  	_ =	shalt  }
0x7e: {  	_ =	shalt  }
0x7f: {  	_ =	shalt  }
0x80: {  	_ =	shalt  }
0x81: {  	_ =	shalt  }
0x82: {  	_ =	shalt  }
0x83: {  	_ =	shalt  }
0x84: {  	_ =	shalt  }
0x85: {  	_ =	shalt  }
0x86: {  	_ =	shalt  }
0x87: {  	_ =	shalt  }
.Lfunc_end0:
.L_simem_size_0:
called_computation.1_lowered:
.L_overlay_start_0:
0x88: {  	s2 =	sld [smem:$0x3FD9]  }
0x89: {  	s3 =	sld [smem:$0x3FFE];
	_ =	sdelay $0x1  }
0x8a: {  	s1 =	srdreg.scid  }
0x8b: {  	s0 =	sand.u32 $0x1, s1  }
0x8c: {  	s16 =	sshll.u32 s0, $0xA;
	s2 =	sadd.s32 s3, s2  }
0x8d: {  	s2 =	sadd.s32 s2, s16  }
0x8e: {  	[smem:$0x3FC4] =	sst s2  }
0x8f: {  	_ = 	snop  }
0x90: {  	(tm) =	ssettm $0x1  }
0x91: {  	s17 =	sld [smem:$0x3FFB];
	_ =	sdelay $0x3  }
0x92: {  	_ =	strace s17  }
0x93: {  	s2 =	sld [smem:$0x3FFC];
	_ =	sdelay $0x3  }
0x94: {  	_ =	strace s2  }
0x95: {  	s2 =	sld [smem:$0x3FFD];
	_ =	sdelay $0x3  }
0x96: {  	_ =	strace s2  }
0x97: {  	_ =	strace $0x8FFFFFFF  }
0x98: {  	s18 =	sld [smem:$0x3FDB];
	_ =	sdelay $0x1  }
0x99: {  	s19 =	simm.s32 $_scs_section_size  }
0x9a: {  	s4 =	simm.s32 $_size__tile_overlayer_lowered;
	s5 =	simm.s32 $_tile_overlayer_lowered  }
0x9b: {  	s22 =	simm.s32 $0x1BFF;
	s21 =	sshll.u32 s5, $0x1;
	s2 =	sadd.s32 s19, s18  }
0x9c: {  	s6 =	simm.s32 $0x0;
	s20 =	sshll.u32 s4, $0x1;
	s4 =	sadd.s32 s21, s2  }
0x9d: {  	[timem:s6], [sflag:s22] =	dma.local [hbm:s4], s20  }
0x9e: {  	_ =	swait.ge [sflag:s22], s20  }
0x9f: {  	s3 =	ssub.s32 $0x0, s20;
	[sflag:s22] =	ssyncset.done $0x0  }
0xa0: {  	[sflag:s22] =	ssyncadd.s32 s3;
	_ =	sdelay $0x1  }
0xa1: {  	s23 =	simm.s32 $0x1B8B  }
0xa2: {  	_ =	swait.ge [sflag:s23], $0x1  }
0xa3: {  	[sflag:s23] =	ssyncset.done $0x0  }
0xa4: {  	s25 =	simm.s32 $0x1B8E;
	s24 =	sld [smem:$0x3FFE];
	[sflag:s23] =	ssyncadd.s32 $0xFFFFFFFF  }
0xa5: {  	s26 =	simm.s32 $execute0_lowered;
	[smem:$0x3FD2] =	sst s25  }
0xa6: {  	s4 =	sshll.u32 s26, $0x1;
	_ =	strace $0x80000049;
	[dreg:$0x1] =	wrdreg $0xFFFFFFFF  }
0xa7: {  	s28 =	simm.s32 $_size_execute0_lowered;
	s2 =	sadd.s32 s2, s4;
	[dreg:$0x0] =	wrdreg $0x0  }
0xa8: {  	s4 =	sshll.u32 s28, $0x1;
	[dreg:$0x2] =	wrdreg s2  }
0xa9: {  	[dreg:$0x3] =	wrdreg s4  }
0xaa: {  	[dreg:$0x4] =	wrdreg $0xC0  }
0xab: {  	_ =	task [dreg:s6], $0x5FFFF  }
0xac: {  	[dreg:$0x1] =	wrdreg $0xFFFFFFFF  }
0xad: {  	[dreg:$0x0] =	wrdreg $0x60  }
0xae: {  	[dreg:$0x2] =	wrdreg s24  }
0xaf: {  	[dreg:$0x3] =	wrdreg $0xBF800  }
0xb0: {  	[dreg:$0x4] =	wrdreg $0x9  }
0xb1: {  	_ =	task.clear_ibuf [dreg:s6], $0x5FFFF;
	_ =	strace $0x90000049  }
0xb2: {  	s29 =	simm.s32 $0x9;
	_ =	strace $0x8000004B  }
0xb3: {  	_ =	swait.ge [sflag:s29], $0x1  }
0xb4: {  	[sflag:s29] =	ssyncadd.s32 $0xFFFFFFFF  }
0xb5: {  	_ =	strace $0x9000004B  }
0xb6: {  	_ =	sfence  }
0xb7: {  	s30 =	sld [smem:$0x0];
	_ =	sdelay $0x2  }
0xb8: {  	s31 =	sshll.u32 s1, $0xD;
	s1 =	sshrl.u32 s1, $0x2  }
0xb9: {  	s3 =	sand.u32 $0x4000, s31;
	s1 =	sadd.s32 s1, s30  }
0xba: {  	s0 =	sor.u32 s3, s0;
	s1 =	sshll.u32 s1, $0x11  }
0xbb: {  	s0 =	sor.u32 s1, s0  }
0xbc: {  	s0 =	sadd.s32 $0x8F2B, s0  }
0xbd: {  	[sflag:s0] =	ssyncadd.remote.s32 $0x1  }
0xbe: {  	_ =	sfence.sel $0xFFFF  }
0xbf: {  	[dreg:$0x0] =	wrdreg $0xFFFFFFFF;
	(pc) =	sbr.abs _section_cstart, $3  }
0xc0: {  	[dreg:$0x1] =	wrdreg $0xFFFFFFFF  }
0xc1: {  	_ =	task.clear_ibuf [dreg:s6], $0x2FFFF;
	_ =	strace $0x9FFFFFFF  }
0xc2: {  	(tm) =	ssettm $0x7FFFFFFF  }
0xc3: {  	_ =	shalt  }
tec
execute0_lowered:
.L_overlay_start_1:
0x0: {  	(tag) =	ssettag $0x1  }
0x1: {  	s0 =	srdreg.scid;
	s1 =	rddreg [dreg:$0x0]  }
0x2: {  	s19 =	stileid.u32;
	s2 =	rddreg [dreg:$0x1]  }
0x3: {  	s17 =	simm.s32 $0x80;
	s18 =	simm.s32 $0x400;
	s28 =	simm.s32 $0x8F80  }
0x4: {  	s29 =	simm.s32 $0x4;
	s30 =	simm.s32 $0x5B80;
	s8 =	smul.u32 $0x13C00, s19  }
0x5: {  	s31 =	simm.s32 $0x0;
	s0 =	sand.u32 $0x1, s0;
	s21 =	smul.u32 $0x4F000, s19  }
0x6: {  	s6 =	sshll.u32 s19, $0x7;
	s10 =	smul.u32 $0x2780, s19;
	s26 =	sshll.u32 s19, $0x6  }
0x7: {  	s3 =	sshll.u32 s0, $0x4;
	s6 =	sand.u32 $0x380, s6;
	s7 =	smul.u32 $0x13C000, s0  }
0x8: {  	s23 =	ssub.s32 $0x2, s0;
	p0 =	sne.s32 s0, $0x0;
	s20 =	sor.u32 $0x1C03, s26  }
0x9: {  	s26 =	simm.s32 $0x60;
	s5 =	sor.u32 s19, s3;
	s3 =	simm.s32 $0x0  }
0xa: {  	s24 =	sshrl.u32 s23, $0x1;
	s19 =	simm.s32 $0x2780;
	s4 =	sshrl.u32 s5, $0x3  }
0xb: {  	[smem:$0x7FF] =	sst s3;
	s5 =	smul.u32 $0x700, s5;
	s7 =	sadd.s32 s8, s7  }
0xc: {  	s8 =	sshrl.u32 s21, $0x2;
	s11 =	ssub.s32 s23, s24;
	s23 =	simm.s32 $0x1  }
0xd: {  	s24 =	simm.s32 $0x2;
	s4 =	smul.u32 $0x13C00, s4;
	_ =	strace $0x8000004A  }
0xe: {  	s22 =	sshrl.u32 s7, $0x3;
	s11 =	smax.u32 s11, $0x1;
	s9 =	sadd.s32 s5, s1  }
0xf: {  	s5 =	sadd.s32 s8, s2;
	s6 =	sor.u32 s6, s4;
	s4 =	sadd.s32 $0x19C00, s1  }
0x10: {  	s7 =	sadd.s32 $0xBC00, s9;
	s8 =	sadd.s32 $0x12000, s5;
	s12 =	sadd.s32 $0x3000, s5  }
0x11: {  	s13 =	sadd.s32 $0x6000, s5;
	s14 =	sadd.s32 $0x9000, s5;
	s15 =	sadd.s32 $0xC000, s5  }
0x12: {  	s16 =	sadd.s32 $0xF000, s5;
	s21 =	sshrl.u32 s5, $0x3;
	s6 =	sshrl.u32 s6, $0x3  }
0x13: {  	[dreg:$0x3] =	wrdreg s8;
	s25 =	sadd.s32 s4, s10;
	s6 =	sadd.s32 s6, s1  }
0x14: {  	s1 =	sadd.s32 s22, s1;
	[dreg:$0x4] =	wrdreg s25;
	s22 =	simm.s32 $0x3  }
0x15: {  	v0 =	vimm.f32 $0.0e+00;
	s25 =	simm.s32 $0x5F80;
	s6 =	sadd.s32 $0x1E00, s6;
	s10 =	sadd.s32 $0x41400, s1  }
.LBB2_1:
.Ltmp0:
0x16: {  	(pc) =	sbr.rel @p0 .LBB2_3-.Ltmp0, $4  }
0x17: {  	_ = 	snop  }
0x18: {  	[tilespmem:s3], [sflag:$0x1] =	stream.strided.gather [hbm4b:s6+s17], $0x2780, s18, s17, $0x38;
	[tilespmem:$0x1FB80] =	vst v63  }
0x19: {  	s1 =	simm.s32 $0x1C0  }
0x1a: {  	[tilespmem:s19], [sflag:$0x2] =	stream.linear.gather [hbm4b:s7+s3], $0x3480, $0x38;
	[tilespmem:$0x1FB80] =	vst v63  }
.Ltmp1:
0x1b: {  	s0 =	rddreg [dreg:$0x4];
	(pc) =	sbr.rel .LBB2_6-.Ltmp1, $4  }
0x1c: {  	[spmem:s21], [sflag:s20] =	dma.local [hbm:s0], $0x2780  }
0x1d: {  	_ =	swait.ge [sflag:s22], $0x2780  }
0x1e: {  	[sflag:s22] =	ssyncset.done $0x0  }
0x1f: {  	[sflag:s22] =	ssyncadd.s32 $0xFFFFD880  }
.LBB2_3:
0x20: {  	s0 =	sshra.s32 s1, $0x2;
	s1 =	sadd.s32 $0x200, s1  }
.LBB2_4:
0x21: {  	p1 =	seq.s32 s1, $0xBFC0;
	[tilespmem:s0+$0x5F80] =	vst v0  }
0x22: {  	[tilespmem:s0+$0x5F10] =	vst v0  }
0x23: {  	[tilespmem:s0+$0x5F20] =	vst v0  }
.Ltmp2:
0x24: {  	[tilespmem:s0+$0x5F30] =	vst v0;
	(pc) =	sbr.rel @!p1 .LBB2_4-.Ltmp2, $4  }
0x25: {  	[tilespmem:s0+$0x5F40] =	vst v0  }
0x26: {  	[tilespmem:s0+$0x5F50] =	vst v0  }
0x27: {  	[tilespmem:s0+$0x5F60] =	vst v0  }
0x28: {  	[tilespmem:s0+$0x5F70] =	vst v0;
	s0 =	sshra.s32 s1, $0x2;
	s1 =	sadd.s32 $0x200, s1  }
0x29: {  	[tilespmem:s0+$0x5F80] =	vst v0  }
0x2a: {  	[tilespmem:s0+$0x5F10] =	vst v0  }
0x2b: {  	[tilespmem:s0+$0x5F20] =	vst v0  }
0x2c: {  	[tilespmem:s0+$0x5F30] =	vst v0  }
0x2d: {  	[tilespmem:s0+$0x5F40] =	vst v0  }
0x2e: {  	[tilespmem:s0+$0x5F50] =	vst v0  }
0x2f: {  	[tilespmem:s0+$0x5F60] =	vst v0  }
0x30: {  	[tilespmem:s0+$0x5F70] =	vst v0  }
0x31: {  	[spmem:s5] =	stream.linear.scatter [tilespmem:s25], [sflag:$0x3], $0x3000, $0x38;
	[tilespmem:$0x1FB80] =	vst v63  }
0x32: {  	_ =	swait.ge [sflag:s22], $0x3000  }
0x33: {  	[sflag:s22] =	ssyncset.done $0x0  }
0x34: {  	[sflag:s22] =	ssyncadd.s32 $0xFFFFD000  }
0x35: {  	[spmem:s12] =	stream.linear.scatter [tilespmem:s25], [sflag:$0x3], $0x3000, $0x38;
	[tilespmem:$0x1FB80] =	vst v63  }
0x36: {  	_ =	swait.ge [sflag:s22], $0x3000  }
0x37: {  	[sflag:s22] =	ssyncset.done $0x0  }
0x38: {  	[sflag:s22] =	ssyncadd.s32 $0xFFFFD000  }
0x39: {  	[spmem:s13] =	stream.linear.scatter [tilespmem:s25], [sflag:$0x3], $0x3000, $0x38;
	[tilespmem:$0x1FB80] =	vst v63  }
0x3a: {  	_ =	swait.ge [sflag:s22], $0x3000  }
0x3b: {  	[sflag:s22] =	ssyncset.done $0x0  }
0x3c: {  	[sflag:s22] =	ssyncadd.s32 $0xFFFFD000  }
0x3d: {  	[spmem:s14] =	stream.linear.scatter [tilespmem:s25], [sflag:$0x3], $0x3000, $0x38;
	[tilespmem:$0x1FB80] =	vst v63  }
0x3e: {  	_ =	swait.ge [sflag:s22], $0x3000  }
0x3f: {  	[sflag:s22] =	ssyncset.done $0x0  }
0x40: {  	[sflag:s22] =	ssyncadd.s32 $0xFFFFD000  }
0x41: {  	[spmem:s15] =	stream.linear.scatter [tilespmem:s25], [sflag:$0x3], $0x3000, $0x38;
	[tilespmem:$0x1FB80] =	vst v63  }
0x42: {  	_ =	swait.ge [sflag:s22], $0x3000  }
0x43: {  	[sflag:s22] =	ssyncset.done $0x0  }
0x44: {  	[sflag:s22] =	ssyncadd.s32 $0xFFFFD000  }
0x45: {  	[spmem:s16] =	stream.linear.scatter [tilespmem:s25], [sflag:$0x3], $0x3000, $0x38;
	[tilespmem:$0x1FB80] =	vst v63  }
0x46: {  	_ =	swait.ge [sflag:s22], $0x3000  }
0x47: {  	[sflag:s22] =	ssyncset.done $0x0  }
0x48: {  	s9 =	rddreg [dreg:$0x3];
	[sflag:s22] =	ssyncadd.s32 $0xFFFFD000  }
0x49: {  	[spmem:s9] =	stream.linear.scatter [tilespmem:s25], [sflag:$0x3], $0x1C00, $0x38;
	[tilespmem:$0x1FB80] =	vst v63  }
0x4a: {  	_ =	swait.ge [sflag:s22], $0x1C00  }
0x4b: {  	[sflag:s22] =	ssyncset.done $0x0  }
0x4c: {  	[sflag:s22] =	ssyncadd.s32 $0xFFFFE400  }
.LBB2_6:
0x4d: {  	_ =	swait.ge [sflag:s23], $0x2780  }
0x4e: {  	[sflag:s23] =	ssyncset.done $0x0  }
0x4f: {  	[sflag:s23] =	ssyncadd.s32 $0xFFFFD880  }
0x50: {  	_ =	swait.ge [sflag:s24], $0x3480  }
0x51: {  	[sflag:s24] =	ssyncset.done $0x0  }
0x52: {  	s1 =	simm.s32 $0x60;
	s0 =	simm.s32 $0x0;
	[sflag:s24] =	ssyncadd.s32 $0xFFFFCB80  }
0x53: {  	[tilespmem:s25], [sflag:$0x1] =	stream.indirect.gather [hbm4b:s4+s1], $0x80, s0, s1, $0xb8;
	[tilespmem:$0x1FB80] =	vst v63  }
0x54: {  	[bflag:$0x0] =	sbarrier.arrive $0xFFFF  }
0x55: {  	[tilespmem:s28], [sflag:$0x2] =	stream.indirect.gather [hbm4b:s4+s26], $0x80, s1, s26, $0xb8;
	[tilespmem:$0x1FB80] =	vst v63  }
0x56: {  	_ =	swait.ge [sflag:s23], $0x3000  }
0x57: {  	[sflag:s23] =	ssyncset.done $0x0  }
0x58: {  	s9 =	simm.s32 $0x2780;
	[sflag:s23] =	ssyncadd.s32 $0xFFFFD000  }
0x59: {  	[spmem:s2] =	stream.indirect.scatter.add.f32 [tilespmem:s25], [sflag:$0x4], $0x80, s9, s26, $0xb8;
	[tilespmem:$0x1FB80] =	vst v63  }
0x5a: {  	_ =	swait.ge [sflag:s29], $0x3000  }
0x5b: {  	[sflag:s29] =	ssyncset.done $0x0  }
0x5c: {  	s8 =	simm.s32 $0xC0;
	[sflag:s29] =	ssyncadd.s32 $0xFFFFD000  }
0x5d: {  	[tilespmem:s25], [sflag:$0x1] =	stream.indirect.gather [hbm4b:s4+s26], $0x80, s8, s26, $0xb8;
	[tilespmem:$0x1FB80] =	vst v63  }
0x5e: {  	_ =	swait.ge [sflag:s24], $0x3000  }
0x5f: {  	[sflag:s24] =	ssyncset.done $0x0  }
0x60: {  	s9 =	simm.s32 $0x2800;
	[sflag:s24] =	ssyncadd.s32 $0xFFFFD000  }
0x61: {  	[spmem:s2] =	stream.indirect.scatter.add.f32 [tilespmem:s28], [sflag:$0x3], $0x80, s9, s26, $0xb8;
	[tilespmem:$0x1FB80] =	vst v63  }
0x62: {  	_ =	swait.ge [sflag:s22], $0x3000  }
0x63: {  	s0 =	simm.s32 $0x400;
	[sflag:s22] =	ssyncset.done $0x0  }
.LBB2_7:
0x64: {  	p1 =	sne.s32 s0, $0xCC00;
	[sflag:s22] =	ssyncadd.s32 $0xFFFFD000;
	s1 =	sadd.s32 $0xC0, s1  }
0x65: {  	[tilespmem:s28], [sflag:$0x2] =	stream.indirect.gather [hbm4b:s4+s26], $0x80, s1, s26, $0xb8;
	[tilespmem:$0x1FB80] =	vst v63  }
0x66: {  	s8 =	smov.u32 s0;
	s0 =	sadd.s32 $0x400, s0;
	_ =	swait.ge [sflag:s23], $0x3000  }
0x67: {  	s8 =	sshra.s32 s8, $0x2;
	[sflag:s23] =	ssyncset.done $0x0  }
0x68: {  	s9 =	sadd.s32 $0x2780, s8;
	[sflag:s23] =	ssyncadd.s32 $0xFFFFD000  }
0x69: {  	[spmem:s2] =	stream.indirect.scatter.add.f32 [tilespmem:s25], [sflag:$0x4], $0x80, s9, s26, $0xb8;
	[tilespmem:$0x1FB80] =	vst v63  }
0x6a: {  	_ =	swait.ge [sflag:s29], $0x3000  }
0x6b: {  	[sflag:s29] =	ssyncset.done $0x0  }
0x6c: {  	s9 =	sadd.s32 $0x60, s1;
	[sflag:s29] =	ssyncadd.s32 $0xFFFFD000  }
0x6d: {  	[tilespmem:s25], [sflag:$0x1] =	stream.indirect.gather [hbm4b:s4+s26], $0x80, s9, s26, $0xb8;
	[tilespmem:$0x1FB80] =	vst v63  }
0x6e: {  	_ =	swait.ge [sflag:s24], $0x3000  }
.Ltmp3:
0x6f: {  	[sflag:s24] =	ssyncset.done $0x0;
	(pc) =	sbr.rel @p1 .LBB2_7-.Ltmp3, $4  }
0x70: {  	s8 =	sadd.s32 $0x2800, s8;
	[sflag:s24] =	ssyncadd.s32 $0xFFFFD000  }
0x71: {  	[spmem:s2] =	stream.indirect.scatter.add.f32 [tilespmem:s28], [sflag:$0x3], $0x80, s8, s26, $0xb8;
	[tilespmem:$0x1FB80] =	vst v63  }
0x72: {  	_ =	swait.ge [sflag:s22], $0x3000  }
0x73: {  	[sflag:s22] =	ssyncset.done $0x0  }
0x74: {  	[sflag:s22] =	ssyncadd.s32 $0xFFFFD000  }
0x75: {  	_ =	swait.ge [sflag:s23], $0x3000  }
0x76: {  	[sflag:s23] =	ssyncset.done $0x0  }
0x77: {  	[sflag:s23] =	ssyncadd.s32 $0xFFFFD000  }
0x78: {  	[spmem:s2] =	stream.indirect.scatter.add.f32 [tilespmem:s25], [sflag:$0x3], $0x80, s30, s26, $0xb8;
	[tilespmem:$0x1FB80] =	vst v63  }
0x79: {  	_ =	swait.ge [sflag:s22], $0x3000  }
0x7a: {  	s31 =	sadd.s32 $0x1, s31;
	[sflag:s22] =	ssyncset.done $0x0  }
0x7b: {  	p1 =	sne.s32 s31, s11;
	[sflag:s22] =	ssyncadd.s32 $0xFFFFD000  }
.Ltmp4:
0x7c: {  	[bflag:$0x0] =	sbarrier.arrive $0xFFFF;
	(pc) =	sbr.rel @p1 .LBB2_1-.Ltmp4, $4  }
0x7d: {  	[hbm:s10], [sflag:s20] =	dma.local [spmem:s21], $0x2780  }
0x7e: {  	_ =	swait.ge [sflag:s22], $0x2780  }
0x7f: {  	[sflag:s22] =	ssyncset.done $0x0  }
0x80: {  	[sflag:s22] =	ssyncadd.s32 $0xFFFFD880  }
0x81: {  	_ =	sfence.sel $0x180000  }
0x82: {  	[bflag:$0x0] =	sbarrier.arrive $0xFFFF  }
0x83: {  	_ =	strace $0x9000004A  }
0x84: {  	s0 =	stileid.u32;
	[bflag:$0x2] =	sbarrier.arrive $0xFFFF  }
0x85: {  	p0 =	sne.s32 s0, $0x0;
	s0 =	rddreg [dreg:$0x2]  }
0x86: {  	s0 =	sadd.s32 @!p0 $0x100000, s0  }
0x87: {  	[sflag:s0] =	ssyncadd.tile.s32 @!p0 $0x1;
	_ =	shalt  }
.Lfunc_end2:
_tile_overlayer_lowered:
.L_overlay_start_2:
0x88: {  	(tag) =	ssettag $0x2  }
0x89: {  	s0 =	rddreg [dreg:$0x0];
	s2 =	stileid.u32  }
0x8a: {  	s1 =	rddreg [dreg:$0x1];
	p0 =	sne.s32 s2, $0x0  }
0x8b: {  	s3 =	rddreg [dreg:$0x2];
	[bflag:$0x3] =	sbarrier.arrive $0xFFFF;
	s2 =	simm.s32 @!p0 $0x1C03  }
0x8c: {  	[timem:s3], [sflag:s2] =	dma.local @!p0 [hbm:s0], s1  }
0x8d: {  	s0 =	simm.s32 @!p0 $0x3  }
0x8e: {  	_ =	swait.ge @!p0 [sflag:s0], s1  }
0x8f: {  	s1 =	ssub.s32 @!p0 $0x0, s1;
	[sflag:s0] =	ssyncset.done @!p0 $0x0  }
0x90: {  	[sflag:s0] =	ssyncadd.s32 @!p0 s1  }
0x91: {  	[bflag:$0x3] =	sbarrier.arrive $0xFFFF  }
0x92: {  	_ =	shalt  }

</sc_bundles>
